<compile_context>
chip_gen: v7x
topology: tpu7x:2x2x1
jax: 0.10.2.dev20260603
libtpu: 0.0.44.dev20260713+nightly
codegen_flags: <defaults>
</compile_context>

<pallas_src>
import functools

import jax
import jax.numpy as jnp
from jax import lax
from jax.experimental import pallas as pl
from jax.experimental.pallas import tpu as pltpu
from jax.experimental.pallas import tpu_sc as plsc

_NW = 32
_CH = 128

_INV2PI = 0.15915494309189535
_TWOPI = 6.283185307179586
_S1 = 9.9998459345e-01
_S3 = -1.6663259377e-01
_S5 = 8.3123882797e-03
_S7 = -1.9316269889e-04
_S9 = 2.1732569601e-06


def _psin(x):
    n = jnp.floor(x * _INV2PI + 0.5)
    r = x - n * _TWOPI
    r2 = r * r
    return r * (_S1 + r2 * (_S3 + r2 * (_S5 + r2 * (_S7 + r2 * _S9))))


def _sc_gather_add(table, idx3, dense2):
    nw, n_chunks, ch = idx3.shape
    d = table.shape[1]
    qrows = nw * n_chunks * ch // 2
    mesh = plsc.VectorSubcoreMesh(core_axis_name="c", subcore_axis_name="s")

    @functools.partial(
        pl.kernel,
        mesh=mesh,
        out_type=jax.ShapeDtypeStruct((qrows, 2 * d), jnp.float32),
        compiler_params=pltpu.CompilerParams(use_tc_tiling_on_sc=False),
        scratch_types=[
            pltpu.VMEM((n_chunks, ch), jnp.int32),
            pltpu.VMEM((ch, d), jnp.float32),
            pltpu.VMEM((ch, d), jnp.float32),
            pltpu.VMEM((ch // 2, 2 * d), jnp.float32),
            pltpu.VMEM((ch // 2, 2 * d), jnp.float32),
            pltpu.SemaphoreType.DMA,
            pltpu.SemaphoreType.DMA,
            pltpu.SemaphoreType.DMA,
            pltpu.SemaphoreType.DMA,
            pltpu.SemaphoreType.DMA,
            pltpu.SemaphoreType.DMA,
        ],
    )
    def k(table_hbm, idx_hbm, dense_hbm, out_hbm, idx_v, ga, gb, da, db,
          sga, sgb, sda, sdb, swa, swb):
        wid = lax.axis_index("s") * 2 + lax.axis_index("c")
        qb = wid * (n_chunks * ch // 2)
        qc = ch // 2
        pltpu.sync_copy(idx_hbm.at[wid], idx_v)

        def fire(j, gbuf, dbuf, sg, sd):
            pltpu.async_copy(table_hbm.at[idx_v.at[j]], gbuf, sg)
            pltpu.async_copy(dense_hbm.at[pl.ds(qb + j * qc, qc)], dbuf, sd)

        fire(0, ga, da, sga, sda)
        fire(1, gb, db, sgb, sdb)

        def addpack(gbuf, dbuf):
            def row(q, carry):
                for h in range(2):
                    for qq in range(4):
                        plsc.addupdate(
                            dbuf.at[q, pl.ds(h * d + 16 * qq, 16)],
                            gbuf[2 * q + h, pl.ds(16 * qq, 16)])
                return carry
            lax.fori_loop(0, ch // 2, row, 0)

        def step(g, carry):
            j0 = 2 * g
            j1 = j0 + 1
            pltpu.make_async_copy(table_hbm.at[idx_v.at[0]], ga, sga).wait()
            pltpu.make_async_copy(
                dense_hbm.at[pl.ds(0, qc)], da, sda).wait()
            addpack(ga, da)
            pltpu.async_copy(da, out_hbm.at[pl.ds(qb + j0 * qc, qc)], swa)

            pltpu.make_async_copy(table_hbm.at[idx_v.at[0]], gb, sgb).wait()
            pltpu.make_async_copy(
                dense_hbm.at[pl.ds(0, qc)], db, sdb).wait()
            addpack(gb, db)
            pltpu.async_copy(db, out_hbm.at[pl.ds(qb + j1 * qc, qc)], swb)

            @pl.when(j0 + 2 < n_chunks)
            def _():
                pltpu.make_async_copy(
                    da, out_hbm.at[pl.ds(0, qc)], swa).wait()
                fire(j0 + 2, ga, da, sga, sda)

            @pl.when(j1 + 2 < n_chunks)
            def _():
                pltpu.make_async_copy(
                    db, out_hbm.at[pl.ds(0, qc)], swb).wait()
                fire(j1 + 2, gb, db, sgb, sdb)

            return carry

        lax.fori_loop(0, n_chunks // 2, step, 0)
        pltpu.make_async_copy(da, out_hbm.at[pl.ds(0, qc)], swa).wait()
        pltpu.make_async_copy(db, out_hbm.at[pl.ds(0, qc)], swb).wait()

    return k(table, idx3, dense2)


def _tc_dense(scal8, w0, b0, t2wl, t2bl, tpw0, tpw1m, tpb, valw, valb, d):
    qrows = scal8.shape[0]
    blk = 1024
    grid = qrows // blk

    def body(s8_ref, w0_ref, b0_ref, t2wl_ref, t2bl_ref, tpw0_ref,
             tpw1m_ref, tpb_ref, valw_ref, valb_ref, out_ref):
        s8 = s8_ref[...]

        def both(c):
            return jnp.concatenate(
                [jnp.broadcast_to(s8[:, c:c + 1], (blk, d)),
                 jnp.broadcast_to(s8[:, c + 4:c + 5], (blk, d))], axis=1)

        tb, nsfb, vpb, nvfb = both(0), both(1), both(2), both(3)
        lin = tb * w0_ref[0, 0] + b0_ref[0, 0]
        sm = _psin(tb * t2wl_ref[...] + t2bl_ref[...])
        proj = (lin * tpw0_ref[...]
                + jnp.dot(sm, tpw1m_ref[...],
                          preferred_element_type=jnp.float32)
                + tpb_ref[...])
        out_ref[...] = proj * nsfb + (vpb * valw_ref[...]
                                      + valb_ref[...] * nvfb)

    full = lambda shape: pl.BlockSpec(shape, lambda i: (0, 0))
    row_blk = lambda w: pl.BlockSpec((blk, w), lambda i: (i, 0))
    return pl.pallas_call(
        body,
        grid=(grid,),
        in_specs=[
            row_blk(8),
            full((1, 1)), full((1, 1)), full(t2wl.shape), full(t2bl.shape),
            full(tpw0.shape), full(tpw1m.shape), full(tpb.shape),
            full(valw.shape), full(valb.shape),
        ],
        out_specs=row_blk(2 * d),
        out_shape=jax.ShapeDtypeStruct((qrows, 2 * d), jnp.float32),
    )(scal8, w0, b0, t2wl, t2bl, tpw0, tpw1m, tpb, valw, valb)


def kernel(static_mask, code, numeric_value, time_delta_days,
           numeric_value_mask, table, t2v_w0, t2v_b0, t2v_W, t2v_B,
           tp_W, tp_b, val_W, val_b):
    b, s = code.shape
    d = table.shape[1]
    bs = b * s
    n_chunks = bs // (_NW * _CH)

    idx3 = code.T.astype(jnp.int32).reshape(_NW, n_chunks, _CH)
    nvf = numeric_value_mask.astype(jnp.float32)
    scal8 = jnp.stack([
        time_delta_days.T.reshape(-1),
        (~static_mask).T.reshape(-1).astype(jnp.float32),
        (numeric_value * nvf).T.reshape(-1),
        nvf.T.reshape(-1),
    ], axis=1).reshape(bs // 2, 8)

    table_c = table

    k = t2v_W.shape[0]
    tile2 = lambda row: jnp.concatenate([row, row], axis=1)
    t2wl = tile2(jnp.zeros((1, d), jnp.float32).at[0, :k].set(t2v_W))
    t2bl = tile2(jnp.zeros((1, d), jnp.float32).at[0, :k].set(t2v_B))
    m1 = jnp.zeros((d, d), jnp.float32).at[:k, :].set(tp_W[1:, :])
    tpw1m = (jnp.zeros((2 * d, 2 * d), jnp.float32)
             .at[:d, :d].set(m1).at[d:, d:].set(m1))

    dense2 = _tc_dense(
        scal8, t2v_w0.reshape(1, 1), t2v_b0.reshape(1, 1),
        t2wl, t2bl, tile2(tp_W[0:1, :]), tpw1m, tile2(tp_b.reshape(1, -1)),
        tile2(val_W.reshape(1, -1)), tile2(val_b.reshape(1, -1)), d)

    out2 = _sc_gather_add(table_c, idx3, dense2)
    return out2.reshape(s, b, d).transpose(1, 0, 2)

# --- scband reference (transcript-rebuilt; emitter-appended) ---
"""Pipeline reference for scband-triplet-encoder-45097156608379 (READ-ONLY COPY).

The authoritative reference and input builder live on the scoring server;
editing this copy changes nothing except your own understanding.
"""

import jax, jax.numpy as jnp
import numpy as np

V = 1000000
D = 64
K = 8
B = 1024
S = 200


def setup_inputs(seed: int = 0) -> dict:
    key = jax.random.key(seed)
    ks = jax.random.split(key, 16)
    static_mask = jax.random.randint(ks[0], (B, S), 0, 2).astype(bool)
    code = jax.random.randint(ks[1], (B, S), 0, V).astype(jnp.int64) if jax.config.jax_enable_x64 else jax.random.randint(ks[1], (B, S), 0, V)
    numeric_value = jax.random.normal(ks[2], (B, S), dtype=jnp.float32)
    time_delta_days = jax.random.uniform(ks[3], (B, S), dtype=jnp.float32) * 30.0
    numeric_value_mask = jax.random.randint(ks[4], (B, S), 0, 2).astype(bool)
    # learned parameters
    table = jax.random.normal(ks[5], (V, D), dtype=jnp.float32) * 0.02
    t2v_w0 = jax.random.normal(ks[6], (1,), dtype=jnp.float32) * 0.1
    t2v_b0 = jax.random.normal(ks[7], (1,), dtype=jnp.float32) * 0.1
    t2v_W = jax.random.normal(ks[8], (K,), dtype=jnp.float32)
    t2v_B = jax.random.normal(ks[9], (K,), dtype=jnp.float32)
    tp_W = jax.random.normal(ks[10], (1 + K, D), dtype=jnp.float32) * 0.1
    tp_b = jax.random.normal(ks[11], (D,), dtype=jnp.float32) * 0.1
    val_W = jax.random.normal(ks[12], (1, D), dtype=jnp.float32) * 0.1
    val_b = jax.random.normal(ks[13], (D,), dtype=jnp.float32) * 0.1
    return {
        'static_mask': static_mask,
        'code': code,
        'numeric_value': numeric_value,
        'time_delta_days': time_delta_days,
        'numeric_value_mask': numeric_value_mask,
        'table': table,
        't2v_w0': t2v_w0,
        't2v_b0': t2v_b0,
        't2v_W': t2v_W,
        't2v_B': t2v_B,
        'tp_W': tp_W,
        'tp_b': tp_b,
        'val_W': val_W,
        'val_b': val_b,
    }


def reference(static_mask, code, numeric_value, time_delta_days, numeric_value_mask,
              table, t2v_w0, t2v_b0, t2v_W, t2v_B, tp_W, tp_b, val_W, val_b):
    # Time2Vec on time_delta_days: [B,S] -> [B,S,1+K]
    t = time_delta_days[..., None]  # [B,S,1]
    linear_term = t * t2v_w0 + t2v_b0  # [B,S,1]
    periodic = jnp.sin(t * t2v_W + t2v_B)  # [B,S,K]
    time_vec = jnp.concatenate([linear_term, periodic], axis=-1)  # [B,S,1+K]
    # time projection Linear(1+K -> D)
    time_proj = jnp.einsum('bsk,kd->bsd', time_vec, tp_W) + tp_b  # [B,S,D]
    # mask static positions (torch permutes to [B,D,S]; equivalent masking in [B,S,D])
    time_emb = time_proj * (~static_mask)[..., None].astype(jnp.float32)
    # code embedding lookup (SparseCore gather)
    code_emb = jnp.take(table, code, axis=0)  # [B,S,D]
    # CVE: Linear(1 -> D) on numeric values
    value_vec = numeric_value[..., None] * val_W[0] + val_b  # [B,S,D]
    val_emb = value_vec * numeric_value_mask[..., None].astype(jnp.float32)
    embedding_sum = time_emb + code_emb + val_emb  # [B,S,D]
    # torch does permute(0,2,1) then transpose(1,2) back -> net identity on layout
    return embedding_sum

if __name__ == "__main__":
    import jax
    _d = setup_inputs()
    print(jax.jit(kernel)(*tuple(_d.values())))

</pallas_src>

<mosaic_0001>
#map = affine_map<(d0, d1) -> (0, 0)>
#map1 = affine_map<(d0, d1) -> (0, 0, 0)>
module attributes {stable_mosaic.version = 14 : i64} {
  func.func @k(%arg0: i32, %arg1: i32, %arg2: memref<1000000x64xf32, #tpu.memory_space<hbm>>, %arg3: memref<32x50x128xi32, #tpu.memory_space<hbm>>, %arg4: memref<102400x128xf32, #tpu.memory_space<hbm>>, %arg5: memref<102400x128xf32, #tpu.memory_space<hbm>>, %arg6: memref<50x128xi32, #tpu.memory_space<vmem>>, %arg7: memref<128x64xf32, #tpu.memory_space<vmem>>, %arg8: memref<128x64xf32, #tpu.memory_space<vmem>>, %arg9: memref<64x128xf32, #tpu.memory_space<vmem>>, %arg10: memref<64x128xf32, #tpu.memory_space<vmem>>, %arg11: memref<!tpu.dma_semaphore, #tpu.memory_space<semaphore_mem>>, %arg12: memref<!tpu.dma_semaphore, #tpu.memory_space<semaphore_mem>>, %arg13: memref<!tpu.dma_semaphore, #tpu.memory_space<semaphore_mem>>, %arg14: memref<!tpu.dma_semaphore, #tpu.memory_space<semaphore_mem>>, %arg15: memref<!tpu.dma_semaphore, #tpu.memory_space<semaphore_mem>>, %arg16: memref<!tpu.dma_semaphore, #tpu.memory_space<semaphore_mem>>) attributes {dimension_semantics = [#tpu.dimension_semantics<core_parallel>, #tpu.dimension_semantics<subcore_parallel>], iteration_bounds = array<i64: 2, 16>, scalar_prefetch = 0 : i64, scratch_operands = 11 : i64, tpu.core_type = #tpu.core_type<sc_vector_subcore>, window_params = [{transform_indices = #map}, {transform_indices = #map1}, {transform_indices = #map}, {transform_indices = #map}]} {
    %mul3A = arith.constant 2 : i32
    %mul3A_0 = arith.muli %arg1, %mul3A : i32
    %add3A = arith.addi %mul3A_0, %arg0 : i32
    %mul3A_1 = arith.constant 3200 : i32
    %mul3A_2 = arith.muli %add3A, %mul3A_1 : i32
    "tpu.region"() ({
      %run_scoped3A = tpu.sem_alloc : memref<!tpu.dma_semaphore, #tpu.memory_space<semaphore_mem>>
      %dma_start3A_44 = arith.constant 0 : i32
      %dma_start3A_45 = arith.constant 0 : i32
      %dma_start3A_46 = tpu.memref_slice %arg3[%add3A, %dma_start3A_44, %dma_start3A_45] : memref<32x50x128xi32, #tpu.memory_space<hbm>> -> memref<1x50x128xi32, #tpu.memory_space<hbm>>
      %dma_start3A_47 = tpu.memref_squeeze %dma_start3A_46 : memref<1x50x128xi32, #tpu.memory_space<hbm>> -> memref<50x128xi32, #tpu.memory_space<hbm>>
      %dma_start3A_48 = arith.constant 0 : i32
      %dma_start3A_49 = arith.constant 0 : i32
      %dma_start3A_50 = tpu.memref_slice %arg3[%add3A, %dma_start3A_48, %dma_start3A_49] : memref<32x50x128xi32, #tpu.memory_space<hbm>> -> memref<1x50x128xi32, #tpu.memory_space<hbm>>
      %dma_start3A_51 = tpu.memref_squeeze %dma_start3A_50 : memref<1x50x128xi32, #tpu.memory_space<hbm>> -> memref<50x128xi32, #tpu.memory_space<hbm>>
      tpu.enqueue_dma source(%dma_start3A_51 : memref<50x128xi32, #tpu.memory_space<hbm>>) target(%arg6 : memref<50x128xi32, #tpu.memory_space<vmem>>) target_semaphore(%run_scoped3A : memref<!tpu.dma_semaphore, #tpu.memory_space<semaphore_mem>>)
      %dma_wait3A_52 = arith.constant 0 : i32
      %dma_wait3A_53 = arith.constant 0 : i32
      %dma_wait3A_54 = tpu.memref_slice %arg3[%add3A, %dma_wait3A_52, %dma_wait3A_53] : memref<32x50x128xi32, #tpu.memory_space<hbm>> -> memref<1x50x128xi32, #tpu.memory_space<hbm>>
      %dma_wait3A_55 = tpu.memref_squeeze %dma_wait3A_54 : memref<1x50x128xi32, #tpu.memory_space<hbm>> -> memref<50x128xi32, #tpu.memory_space<hbm>>
      %dma_wait3A_56 = arith.constant 0 : i32
      %dma_wait3A_57 = arith.constant 0 : i32
      %dma_wait3A_58 = tpu.memref_slice %arg3[%add3A, %dma_wait3A_56, %dma_wait3A_57] : memref<32x50x128xi32, #tpu.memory_space<hbm>> -> memref<1x50x128xi32, #tpu.memory_space<hbm>>
      %dma_wait3A_59 = tpu.memref_squeeze %dma_wait3A_58 : memref<1x50x128xi32, #tpu.memory_space<hbm>> -> memref<50x128xi32, #tpu.memory_space<hbm>>
      tpu.wait_dma2 semaphore(%run_scoped3A : memref<!tpu.dma_semaphore, #tpu.memory_space<semaphore_mem>>) src(%dma_wait3A_59 : memref<50x128xi32, #tpu.memory_space<hbm>>) dst(%arg6 : memref<50x128xi32, #tpu.memory_space<vmem>>)
      tpu.yield
    }) : () -> ()
    %dma_start3A = arith.constant 0 : i32
    %dma_start3A_3 = arith.constant 0 : i32
    %dma_start3A_4 = tpu.memref_slice %arg6[%dma_start3A, %dma_start3A_3] : memref<50x128xi32, #tpu.memory_space<vmem>> -> memref<1x128xi32, #tpu.memory_space<vmem>>
    %dma_start3A_5 = tpu.memref_squeeze %dma_start3A_4 : memref<1x128xi32, #tpu.memory_space<vmem>> -> memref<128xi32, #tpu.memory_space<vmem>>
    %dma_start3A_6 = arith.constant 0 : i32
    %dma_start3A_7 = arith.constant 0 : i32
    %dma_start3A_8 = tpu.memref_slice %arg2[%dma_start3A_6, %dma_start3A_7] : memref<1000000x64xf32, #tpu.memory_space<hbm>> -> memref<1000000x64xf32, #tpu.memory_space<hbm>>
    tpu.enqueue_indirect_dma source(%dma_start3A_8 : memref<1000000x64xf32, #tpu.memory_space<hbm>>) target(%arg7 : memref<128x64xf32, #tpu.memory_space<vmem>>) offsets(%dma_start3A_5 : memref<128xi32, #tpu.memory_space<vmem>>) semaphore(%arg11 : memref<!tpu.dma_semaphore, #tpu.memory_space<semaphore_mem>>)
    %add3A_9 = arith.constant 0 : i32
    %add3A_10 = arith.addi %mul3A_2, %add3A_9 : i32
    %dma_start3A_11 = arith.constant 0 : i32
    %dma_start3A_12 = tpu.memref_slice %arg4[%add3A_10, %dma_start3A_11] : memref<102400x128xf32, #tpu.memory_space<hbm>> -> memref<64x128xf32, #tpu.memory_space<hbm>>
    %dma_start3A_13 = arith.constant 0 : i32
    %dma_start3A_14 = tpu.memref_slice %arg4[%add3A_10, %dma_start3A_13] : memref<102400x128xf32, #tpu.memory_space<hbm>> -> memref<64x128xf32, #tpu.memory_space<hbm>>
    tpu.enqueue_dma source(%dma_start3A_14 : memref<64x128xf32, #tpu.memory_space<hbm>>) target(%arg9 : memref<64x128xf32, #tpu.memory_space<vmem>>) target_semaphore(%arg13 : memref<!tpu.dma_semaphore, #tpu.memory_space<semaphore_mem>>)
    %dma_start3A_15 = arith.constant 1 : i32
    %dma_start3A_16 = arith.constant 0 : i32
    %dma_start3A_17 = tpu.memref_slice %arg6[%dma_start3A_15, %dma_start3A_16] : memref<50x128xi32, #tpu.memory_space<vmem>> -> memref<1x128xi32, #tpu.memory_space<vmem>>
    %dma_start3A_18 = tpu.memref_squeeze %dma_start3A_17 : memref<1x128xi32, #tpu.memory_space<vmem>> -> memref<128xi32, #tpu.memory_space<vmem>>
    %dma_start3A_19 = arith.constant 0 : i32
    %dma_start3A_20 = arith.constant 0 : i32
    %dma_start3A_21 = tpu.memref_slice %arg2[%dma_start3A_19, %dma_start3A_20] : memref<1000000x64xf32, #tpu.memory_space<hbm>> -> memref<1000000x64xf32, #tpu.memory_space<hbm>>
    tpu.enqueue_indirect_dma source(%dma_start3A_21 : memref<1000000x64xf32, #tpu.memory_space<hbm>>) target(%arg8 : memref<128x64xf32, #tpu.memory_space<vmem>>) offsets(%dma_start3A_18 : memref<128xi32, #tpu.memory_space<vmem>>) semaphore(%arg12 : memref<!tpu.dma_semaphore, #tpu.memory_space<semaphore_mem>>)
    %add3A_22 = arith.constant 64 : i32
    %add3A_23 = arith.addi %mul3A_2, %add3A_22 : i32
    %dma_start3A_24 = arith.constant 0 : i32
    %dma_start3A_25 = tpu.memref_slice %arg4[%add3A_23, %dma_start3A_24] : memref<102400x128xf32, #tpu.memory_space<hbm>> -> memref<64x128xf32, #tpu.memory_space<hbm>>
    %dma_start3A_26 = arith.constant 0 : i32
    %dma_start3A_27 = tpu.memref_slice %arg4[%add3A_23, %dma_start3A_26] : memref<102400x128xf32, #tpu.memory_space<hbm>> -> memref<64x128xf32, #tpu.memory_space<hbm>>
    tpu.enqueue_dma source(%dma_start3A_27 : memref<64x128xf32, #tpu.memory_space<hbm>>) target(%arg10 : memref<64x128xf32, #tpu.memory_space<vmem>>) target_semaphore(%arg14 : memref<!tpu.dma_semaphore, #tpu.memory_space<semaphore_mem>>)
    %scan3A = arith.constant 0 : i32
    %scan3A_28 = arith.constant 0 : i32
    %scan3A_29 = arith.constant 25 : i32
    %scan3A_30 = arith.addi %scan3A_28, %scan3A_29 : i32
    %scan3A_31 = arith.constant 1 : i32
    scf.for %scan3A_44 = %scan3A_28 to %scan3A_30 step %scan3A_31  : i32 {
      %mul3A_45 = arith.constant 2 : i32
      %mul3A_46 = arith.muli %mul3A_45, %scan3A_44 : i32
      %add3A_47 = arith.constant 1 : i32
      %add3A_48 = arith.addi %mul3A_46, %add3A_47 : i32
      %dma_wait3A_49 = arith.constant 0 : i32
      %dma_wait3A_50 = arith.constant 0 : i32
      %dma_wait3A_51 = tpu.memref_slice %arg6[%dma_wait3A_49, %dma_wait3A_50] : memref<50x128xi32, #tpu.memory_space<vmem>> -> memref<1x128xi32, #tpu.memory_space<vmem>>
      %dma_wait3A_52 = tpu.memref_squeeze %dma_wait3A_51 : memref<1x128xi32, #tpu.memory_space<vmem>> -> memref<128xi32, #tpu.memory_space<vmem>>
      %dma_wait3A_53 = arith.constant 0 : i32
      %dma_wait3A_54 = arith.constant 0 : i32
      %dma_wait3A_55 = tpu.memref_slice %arg2[%dma_wait3A_53, %dma_wait3A_54] : memref<1000000x64xf32, #tpu.memory_space<hbm>> -> memref<1000000x64xf32, #tpu.memory_space<hbm>>
      tpu.wait_indirect_dma semaphore(%arg11 : memref<!tpu.dma_semaphore, #tpu.memory_space<semaphore_mem>>) src(%dma_wait3A_55 : memref<1000000x64xf32, #tpu.memory_space<hbm>>) dst(%arg7 : memref<128x64xf32, #tpu.memory_space<vmem>>)
      %dma_wait3A_56 = arith.constant 0 : i32
      %dma_wait3A_57 = arith.constant 0 : i32
      %dma_wait3A_58 = tpu.memref_slice %arg4[%dma_wait3A_56, %dma_wait3A_57] : memref<102400x128xf32, #tpu.memory_space<hbm>> -> memref<64x128xf32, #tpu.memory_space<hbm>>
      %dma_wait3A_59 = arith.constant 0 : i32
      %dma_wait3A_60 = arith.constant 0 : i32
      %dma_wait3A_61 = tpu.memref_slice %arg4[%dma_wait3A_59, %dma_wait3A_60] : memref<102400x128xf32, #tpu.memory_space<hbm>> -> memref<64x128xf32, #tpu.memory_space<hbm>>
      tpu.wait_dma2 semaphore(%arg13 : memref<!tpu.dma_semaphore, #tpu.memory_space<semaphore_mem>>) src(%dma_wait3A_61 : memref<64x128xf32, #tpu.memory_space<hbm>>) dst(%arg9 : memref<64x128xf32, #tpu.memory_space<vmem>>)
      %scan3A_62 = arith.constant 0 : i32
      %scan3A_63 = arith.constant 0 : i32
      %scan3A_64 = arith.constant 64 : i32
      %scan3A_65 = arith.addi %scan3A_63, %scan3A_64 : i32
      %scan3A_66 = arith.constant 1 : i32
      scf.for %scan3A_112 = %scan3A_63 to %scan3A_65 step %scan3A_66  : i32 {
        %mul3A_113 = arith.constant 2 : i32
        %mul3A_114 = arith.muli %mul3A_113, %scan3A_112 : i32
        %add3A_115 = arith.constant 0 : i32
        %add3A_116 = arith.addi %mul3A_114, %add3A_115 : i32
        %get3A = arith.index_cast %add3A_116 : i32 to index
        %get3A_117 = arith.constant 0 : index
        %get3A_118 = tpu.vector_load %arg7[%get3A, %get3A_117] {strides = array<i32>} : memref<128x64xf32, #tpu.memory_space<vmem>>, vector<1x16xf32>,
        %get3A_119 = vector.shape_cast %get3A_118 : vector<1x16xf32> to vector<16xf32>
        %swap3A = arith.index_cast %scan3A_112 : i32 to index
        %swap3A_120 = arith.constant 0 : index
        %swap3A_121 = tpu.vector_load %arg9[%swap3A, %swap3A_120] {strides = array<i32>} : memref<64x128xf32, #tpu.memory_space<vmem>>, vector<1x16xf32>,
        %swap3A_122 = vector.shape_cast %swap3A_121 : vector<1x16xf32> to vector<16xf32>
        %swap3A_123 = vector.shape_cast %get3A_119 : vector<16xf32> to vector<1x16xf32>
        tpu.vector_store %arg9[%swap3A, %swap3A_120], %swap3A_123 {add = true, strides = array<i32>} : memref<64x128xf32, #tpu.memory_space<vmem>>, vector<1x16xf32>,
        %mul3A_124 = arith.constant 2 : i32
        %mul3A_125 = arith.muli %mul3A_124, %scan3A_112 : i32
        %add3A_126 = arith.constant 0 : i32
        %add3A_127 = arith.addi %mul3A_125, %add3A_126 : i32
        %get3A_128 = arith.index_cast %add3A_127 : i32 to index
        %get3A_129 = arith.constant 16 : index
        %get3A_130 = tpu.vector_load %arg7[%get3A_128, %get3A_129] {strides = array<i32>} : memref<128x64xf32, #tpu.memory_space<vmem>>, vector<1x16xf32>,
        %get3A_131 = vector.shape_cast %get3A_130 : vector<1x16xf32> to vector<16xf32>
        %swap3A_132 = arith.index_cast %scan3A_112 : i32 to index
        %swap3A_133 = arith.constant 16 : index
        %swap3A_134 = tpu.vector_load %arg9[%swap3A_132, %swap3A_133] {strides = array<i32>} : memref<64x128xf32, #tpu.memory_space<vmem>>, vector<1x16xf32>,
        %swap3A_135 = vector.shape_cast %swap3A_134 : vector<1x16xf32> to vector<16xf32>
        %swap3A_136 = vector.shape_cast %get3A_131 : vector<16xf32> to vector<1x16xf32>
        tpu.vector_store %arg9[%swap3A_132, %swap3A_133], %swap3A_136 {add = true, strides = array<i32>} : memref<64x128xf32, #tpu.memory_space<vmem>>, vector<1x16xf32>,
        %mul3A_137 = arith.constant 2 : i32
        %mul3A_138 = arith.muli %mul3A_137, %scan3A_112 : i32
        %add3A_139 = arith.constant 0 : i32
        %add3A_140 = arith.addi %mul3A_138, %add3A_139 : i32
        %get3A_141 = arith.index_cast %add3A_140 : i32 to index
        %get3A_142 = arith.constant 32 : index
        %get3A_143 = tpu.vector_load %arg7[%get3A_141, %get3A_142] {strides = array<i32>} : memref<128x64xf32, #tpu.memory_space<vmem>>, vector<1x16xf32>,
        %get3A_144 = vector.shape_cast %get3A_143 : vector<1x16xf32> to vector<16xf32>
        %swap3A_145 = arith.index_cast %scan3A_112 : i32 to index
        %swap3A_146 = arith.constant 32 : index
        %swap3A_147 = tpu.vector_load %arg9[%swap3A_145, %swap3A_146] {strides = array<i32>} : memref<64x128xf32, #tpu.memory_space<vmem>>, vector<1x16xf32>,
        %swap3A_148 = vector.shape_cast %swap3A_147 : vector<1x16xf32> to vector<16xf32>
        %swap3A_149 = vector.shape_cast %get3A_144 : vector<16xf32> to vector<1x16xf32>
        tpu.vector_store %arg9[%swap3A_145, %swap3A_146], %swap3A_149 {add = true, strides = array<i32>} : memref<64x128xf32, #tpu.memory_space<vmem>>, vector<1x16xf32>,
        %mul3A_150 = arith.constant 2 : i32
        %mul3A_151 = arith.muli %mul3A_150, %scan3A_112 : i32
        %add3A_152 = arith.constant 0 : i32
        %add3A_153 = arith.addi %mul3A_151, %add3A_152 : i32
        %get3A_154 = arith.index_cast %add3A_153 : i32 to index
        %get3A_155 = arith.constant 48 : index
        %get3A_156 = tpu.vector_load %arg7[%get3A_154, %get3A_155] {strides = array<i32>} : memref<128x64xf32, #tpu.memory_space<vmem>>, vector<1x16xf32>,
        %get3A_157 = vector.shape_cast %get3A_156 : vector<1x16xf32> to vector<16xf32>
        %swap3A_158 = arith.index_cast %scan3A_112 : i32 to index
        %swap3A_159 = arith.constant 48 : index
        %swap3A_160 = tpu.vector_load %arg9[%swap3A_158, %swap3A_159] {strides = array<i32>} : memref<64x128xf32, #tpu.memory_space<vmem>>, vector<1x16xf32>,
        %swap3A_161 = vector.shape_cast %swap3A_160 : vector<1x16xf32> to vector<16xf32>
        %swap3A_162 = vector.shape_cast %get3A_157 : vector<16xf32> to vector<1x16xf32>
        tpu.vector_store %arg9[%swap3A_158, %swap3A_159], %swap3A_162 {add = true, strides = array<i32>} : memref<64x128xf32, #tpu.memory_space<vmem>>, vector<1x16xf32>,
        %mul3A_163 = arith.constant 2 : i32
        %mul3A_164 = arith.muli %mul3A_163, %scan3A_112 : i32
        %add3A_165 = arith.constant 1 : i32
        %add3A_166 = arith.addi %mul3A_164, %add3A_165 : i32
        %get3A_167 = arith.index_cast %add3A_166 : i32 to index
        %get3A_168 = arith.constant 0 : index
        %get3A_169 = tpu.vector_load %arg7[%get3A_167, %get3A_168] {strides = array<i32>} : memref<128x64xf32, #tpu.memory_space<vmem>>, vector<1x16xf32>,
        %get3A_170 = vector.shape_cast %get3A_169 : vector<1x16xf32> to vector<16xf32>
        %swap3A_171 = arith.index_cast %scan3A_112 : i32 to index
        %swap3A_172 = arith.constant 64 : index
        %swap3A_173 = tpu.vector_load %arg9[%swap3A_171, %swap3A_172] {strides = array<i32>} : memref<64x128xf32, #tpu.memory_space<vmem>>, vector<1x16xf32>,
        %swap3A_174 = vector.shape_cast %swap3A_173 : vector<1x16xf32> to vector<16xf32>
        %swap3A_175 = vector.shape_cast %get3A_170 : vector<16xf32> to vector<1x16xf32>
        tpu.vector_store %arg9[%swap3A_171, %swap3A_172], %swap3A_175 {add = true, strides = array<i32>} : memref<64x128xf32, #tpu.memory_space<vmem>>, vector<1x16xf32>,
        %mul3A_176 = arith.constant 2 : i32
        %mul3A_177 = arith.muli %mul3A_176, %scan3A_112 : i32
        %add3A_178 = arith.constant 1 : i32
        %add3A_179 = arith.addi %mul3A_177, %add3A_178 : i32
        %get3A_180 = arith.index_cast %add3A_179 : i32 to index
        %get3A_181 = arith.constant 16 : index
        %get3A_182 = tpu.vector_load %arg7[%get3A_180, %get3A_181] {strides = array<i32>} : memref<128x64xf32, #tpu.memory_space<vmem>>, vector<1x16xf32>,
        %get3A_183 = vector.shape_cast %get3A_182 : vector<1x16xf32> to vector<16xf32>
        %swap3A_184 = arith.index_cast %scan3A_112 : i32 to index
        %swap3A_185 = arith.constant 80 : index
        %swap3A_186 = tpu.vector_load %arg9[%swap3A_184, %swap3A_185] {strides = array<i32>} : memref<64x128xf32, #tpu.memory_space<vmem>>, vector<1x16xf32>,
        %swap3A_187 = vector.shape_cast %swap3A_186 : vector<1x16xf32> to vector<16xf32>
        %swap3A_188 = vector.shape_cast %get3A_183 : vector<16xf32> to vector<1x16xf32>
        tpu.vector_store %arg9[%swap3A_184, %swap3A_185], %swap3A_188 {add = true, strides = array<i32>} : memref<64x128xf32, #tpu.memory_space<vmem>>, vector<1x16xf32>,
        %mul3A_189 = arith.constant 2 : i32
        %mul3A_190 = arith.muli %mul3A_189, %scan3A_112 : i32
        %add3A_191 = arith.constant 1 : i32
        %add3A_192 = arith.addi %mul3A_190, %add3A_191 : i32
        %get3A_193 = arith.index_cast %add3A_192 : i32 to index
        %get3A_194 = arith.constant 32 : index
        %get3A_195 = tpu.vector_load %arg7[%get3A_193, %get3A_194] {strides = array<i32>} : memref<128x64xf32, #tpu.memory_space<vmem>>, vector<1x16xf32>,
        %get3A_196 = vector.shape_cast %get3A_195 : vector<1x16xf32> to vector<16xf32>
        %swap3A_197 = arith.index_cast %scan3A_112 : i32 to index
        %swap3A_198 = arith.constant 96 : index
        %swap3A_199 = tpu.vector_load %arg9[%swap3A_197, %swap3A_198] {strides = array<i32>} : memref<64x128xf32, #tpu.memory_space<vmem>>, vector<1x16xf32>,
        %swap3A_200 = vector.shape_cast %swap3A_199 : vector<1x16xf32> to vector<16xf32>
        %swap3A_201 = vector.shape_cast %get3A_196 : vector<16xf32> to vector<1x16xf32>
        tpu.vector_store %arg9[%swap3A_197, %swap3A_198], %swap3A_201 {add = true, strides = array<i32>} : memref<64x128xf32, #tpu.memory_space<vmem>>, vector<1x16xf32>,
        %mul3A_202 = arith.constant 2 : i32
        %mul3A_203 = arith.muli %mul3A_202, %scan3A_112 : i32
        %add3A_204 = arith.constant 1 : i32
        %add3A_205 = arith.addi %mul3A_203, %add3A_204 : i32
        %get3A_206 = arith.index_cast %add3A_205 : i32 to index
        %get3A_207 = arith.constant 48 : index
        %get3A_208 = tpu.vector_load %arg7[%get3A_206, %get3A_207] {strides = array<i32>} : memref<128x64xf32, #tpu.memory_space<vmem>>, vector<1x16xf32>,
        %get3A_209 = vector.shape_cast %get3A_208 : vector<1x16xf32> to vector<16xf32>
        %swap3A_210 = arith.index_cast %scan3A_112 : i32 to index
        %swap3A_211 = arith.constant 112 : index
        %swap3A_212 = tpu.vector_load %arg9[%swap3A_210, %swap3A_211] {strides = array<i32>} : memref<64x128xf32, #tpu.memory_space<vmem>>, vector<1x16xf32>,
        %swap3A_213 = vector.shape_cast %swap3A_212 : vector<1x16xf32> to vector<16xf32>
        %swap3A_214 = vector.shape_cast %get3A_209 : vector<16xf32> to vector<1x16xf32>
        tpu.vector_store %arg9[%swap3A_210, %swap3A_211], %swap3A_214 {add = true, strides = array<i32>} : memref<64x128xf32, #tpu.memory_space<vmem>>, vector<1x16xf32>,
      }
      %scan3A_67 = arith.constant 64 : i32
      %mul3A_68 = arith.constant 64 : i32
      %mul3A_69 = arith.muli %mul3A_46, %mul3A_68 : i32
      %add3A_70 = arith.addi %mul3A_2, %mul3A_69 : i32
      %dma_start3A_71 = arith.constant 0 : i32
      %dma_start3A_72 = tpu.memref_slice %arg5[%add3A_70, %dma_start3A_71] : memref<102400x128xf32, #tpu.memory_space<hbm>> -> memref<64x128xf32, #tpu.memory_space<hbm>>
      %dma_start3A_73 = arith.constant 0 : i32
      %dma_start3A_74 = tpu.memref_slice %arg5[%add3A_70, %dma_start3A_73] : memref<102400x128xf32, #tpu.memory_space<hbm>> -> memref<64x128xf32, #tpu.memory_space<hbm>>
      tpu.enqueue_dma source(%arg9 : memref<64x128xf32, #tpu.memory_space<vmem>>) target(%dma_start3A_74 : memref<64x128xf32, #tpu.memory_space<hbm>>) target_semaphore(%arg15 : memref<!tpu.dma_semaphore, #tpu.memory_space<semaphore_mem>>)
      %dma_wait3A_75 = arith.constant 0 : i32
      %dma_wait3A_76 = arith.constant 0 : i32
      %dma_wait3A_77 = tpu.memref_slice %arg6[%dma_wait3A_75, %dma_wait3A_76] : memref<50x128xi32, #tpu.memory_space<vmem>> -> memref<1x128xi32, #tpu.memory_space<vmem>>
      %dma_wait3A_78 = tpu.memref_squeeze %dma_wait3A_77 : memref<1x128xi32, #tpu.memory_space<vmem>> -> memref<128xi32, #tpu.memory_space<vmem>>
      %dma_wait3A_79 = arith.constant 0 : i32
      %dma_wait3A_80 = arith.constant 0 : i32
      %dma_wait3A_81 = tpu.memref_slice %arg2[%dma_wait3A_79, %dma_wait3A_80] : memref<1000000x64xf32, #tpu.memory_space<hbm>> -> memref<1000000x64xf32, #tpu.memory_space<hbm>>
      tpu.wait_indirect_dma semaphore(%arg12 : memref<!tpu.dma_semaphore, #tpu.memory_space<semaphore_mem>>) src(%dma_wait3A_81 : memref<1000000x64xf32, #tpu.memory_space<hbm>>) dst(%arg8 : memref<128x64xf32, #tpu.memory_space<vmem>>)
      %dma_wait3A_82 = arith.constant 0 : i32
      %dma_wait3A_83 = arith.constant 0 : i32
      %dma_wait3A_84 = tpu.memref_slice %arg4[%dma_wait3A_82, %dma_wait3A_83] : memref<102400x128xf32, #tpu.memory_space<hbm>> -> memref<64x128xf32, #tpu.memory_space<hbm>>
      %dma_wait3A_85 = arith.constant 0 : i32
      %dma_wait3A_86 = arith.constant 0 : i32
      %dma_wait3A_87 = tpu.memref_slice %arg4[%dma_wait3A_85, %dma_wait3A_86] : memref<102400x128xf32, #tpu.memory_space<hbm>> -> memref<64x128xf32, #tpu.memory_space<hbm>>
      tpu.wait_dma2 semaphore(%arg14 : memref<!tpu.dma_semaphore, #tpu.memory_space<semaphore_mem>>) src(%dma_wait3A_87 : memref<64x128xf32, #tpu.memory_space<hbm>>) dst(%arg10 : memref<64x128xf32, #tpu.memory_space<vmem>>)
      %scan3A_88 = arith.constant 0 : i32
      %scan3A_89 = arith.constant 0 : i32
      %scan3A_90 = arith.constant 64 : i32
      %scan3A_91 = arith.addi %scan3A_89, %scan3A_90 : i32
      %scan3A_92 = arith.constant 1 : i32
      scf.for %scan3A_112 = %scan3A_89 to %scan3A_91 step %scan3A_92  : i32 {
        %mul3A_113 = arith.constant 2 : i32
        %mul3A_114 = arith.muli %mul3A_113, %scan3A_112 : i32
        %add3A_115 = arith.constant 0 : i32
        %add3A_116 = arith.addi %mul3A_114, %add3A_115 : i32
        %get3A = arith.index_cast %add3A_116 : i32 to index
        %get3A_117 = arith.constant 0 : index
        %get3A_118 = tpu.vector_load %arg8[%get3A, %get3A_117] {strides = array<i32>} : memref<128x64xf32, #tpu.memory_space<vmem>>, vector<1x16xf32>,
        %get3A_119 = vector.shape_cast %get3A_118 : vector<1x16xf32> to vector<16xf32>
        %swap3A = arith.index_cast %scan3A_112 : i32 to index
        %swap3A_120 = arith.constant 0 : index
        %swap3A_121 = tpu.vector_load %arg10[%swap3A, %swap3A_120] {strides = array<i32>} : memref<64x128xf32, #tpu.memory_space<vmem>>, vector<1x16xf32>,
        %swap3A_122 = vector.shape_cast %swap3A_121 : vector<1x16xf32> to vector<16xf32>
        %swap3A_123 = vector.shape_cast %get3A_119 : vector<16xf32> to vector<1x16xf32>
        tpu.vector_store %arg10[%swap3A, %swap3A_120], %swap3A_123 {add = true, strides = array<i32>} : memref<64x128xf32, #tpu.memory_space<vmem>>, vector<1x16xf32>,
        %mul3A_124 = arith.constant 2 : i32
        %mul3A_125 = arith.muli %mul3A_124, %scan3A_112 : i32
        %add3A_126 = arith.constant 0 : i32
        %add3A_127 = arith.addi %mul3A_125, %add3A_126 : i32
        %get3A_128 = arith.index_cast %add3A_127 : i32 to index
        %get3A_129 = arith.constant 16 : index
        %get3A_130 = tpu.vector_load %arg8[%get3A_128, %get3A_129] {strides = array<i32>} : memref<128x64xf32, #tpu.memory_space<vmem>>, vector<1x16xf32>,
        %get3A_131 = vector.shape_cast %get3A_130 : vector<1x16xf32> to vector<16xf32>
        %swap3A_132 = arith.index_cast %scan3A_112 : i32 to index
        %swap3A_133 = arith.constant 16 : index
        %swap3A_134 = tpu.vector_load %arg10[%swap3A_132, %swap3A_133] {strides = array<i32>} : memref<64x128xf32, #tpu.memory_space<vmem>>, vector<1x16xf32>,
        %swap3A_135 = vector.shape_cast %swap3A_134 : vector<1x16xf32> to vector<16xf32>
        %swap3A_136 = vector.shape_cast %get3A_131 : vector<16xf32> to vector<1x16xf32>
        tpu.vector_store %arg10[%swap3A_132, %swap3A_133], %swap3A_136 {add = true, strides = array<i32>} : memref<64x128xf32, #tpu.memory_space<vmem>>, vector<1x16xf32>,
        %mul3A_137 = arith.constant 2 : i32
        %mul3A_138 = arith.muli %mul3A_137, %scan3A_112 : i32
        %add3A_139 = arith.constant 0 : i32
        %add3A_140 = arith.addi %mul3A_138, %add3A_139 : i32
        %get3A_141 = arith.index_cast %add3A_140 : i32 to index
        %get3A_142 = arith.constant 32 : index
        %get3A_143 = tpu.vector_load %arg8[%get3A_141, %get3A_142] {strides = array<i32>} : memref<128x64xf32, #tpu.memory_space<vmem>>, vector<1x16xf32>,
        %get3A_144 = vector.shape_cast %get3A_143 : vector<1x16xf32> to vector<16xf32>
        %swap3A_145 = arith.index_cast %scan3A_112 : i32 to index
        %swap3A_146 = arith.constant 32 : index
        %swap3A_147 = tpu.vector_load %arg10[%swap3A_145, %swap3A_146] {strides = array<i32>} : memref<64x128xf32, #tpu.memory_space<vmem>>, vector<1x16xf32>,
        %swap3A_148 = vector.shape_cast %swap3A_147 : vector<1x16xf32> to vector<16xf32>
        %swap3A_149 = vector.shape_cast %get3A_144 : vector<16xf32> to vector<1x16xf32>
        tpu.vector_store %arg10[%swap3A_145, %swap3A_146], %swap3A_149 {add = true, strides = array<i32>} : memref<64x128xf32, #tpu.memory_space<vmem>>, vector<1x16xf32>,
        %mul3A_150 = arith.constant 2 : i32
        %mul3A_151 = arith.muli %mul3A_150, %scan3A_112 : i32
        %add3A_152 = arith.constant 0 : i32
        %add3A_153 = arith.addi %mul3A_151, %add3A_152 : i32
        %get3A_154 = arith.index_cast %add3A_153 : i32 to index
        %get3A_155 = arith.constant 48 : index
        %get3A_156 = tpu.vector_load %arg8[%get3A_154, %get3A_155] {strides = array<i32>} : memref<128x64xf32, #tpu.memory_space<vmem>>, vector<1x16xf32>,
        %get3A_157 = vector.shape_cast %get3A_156 : vector<1x16xf32> to vector<16xf32>
        %swap3A_158 = arith.index_cast %scan3A_112 : i32 to index
        %swap3A_159 = arith.constant 48 : index
        %swap3A_160 = tpu.vector_load %arg10[%swap3A_158, %swap3A_159] {strides = array<i32>} : memref<64x128xf32, #tpu.memory_space<vmem>>, vector<1x16xf32>,
        %swap3A_161 = vector.shape_cast %swap3A_160 : vector<1x16xf32> to vector<16xf32>
        %swap3A_162 = vector.shape_cast %get3A_157 : vector<16xf32> to vector<1x16xf32>
        tpu.vector_store %arg10[%swap3A_158, %swap3A_159], %swap3A_162 {add = true, strides = array<i32>} : memref<64x128xf32, #tpu.memory_space<vmem>>, vector<1x16xf32>,
        %mul3A_163 = arith.constant 2 : i32
        %mul3A_164 = arith.muli %mul3A_163, %scan3A_112 : i32
        %add3A_165 = arith.constant 1 : i32
        %add3A_166 = arith.addi %mul3A_164, %add3A_165 : i32
        %get3A_167 = arith.index_cast %add3A_166 : i32 to index
        %get3A_168 = arith.constant 0 : index
        %get3A_169 = tpu.vector_load %arg8[%get3A_167, %get3A_168] {strides = array<i32>} : memref<128x64xf32, #tpu.memory_space<vmem>>, vector<1x16xf32>,
        %get3A_170 = vector.shape_cast %get3A_169 : vector<1x16xf32> to vector<16xf32>
        %swap3A_171 = arith.index_cast %scan3A_112 : i32 to index
        %swap3A_172 = arith.constant 64 : index
        %swap3A_173 = tpu.vector_load %arg10[%swap3A_171, %swap3A_172] {strides = array<i32>} : memref<64x128xf32, #tpu.memory_space<vmem>>, vector<1x16xf32>,
        %swap3A_174 = vector.shape_cast %swap3A_173 : vector<1x16xf32> to vector<16xf32>
        %swap3A_175 = vector.shape_cast %get3A_170 : vector<16xf32> to vector<1x16xf32>
        tpu.vector_store %arg10[%swap3A_171, %swap3A_172], %swap3A_175 {add = true, strides = array<i32>} : memref<64x128xf32, #tpu.memory_space<vmem>>, vector<1x16xf32>,
        %mul3A_176 = arith.constant 2 : i32
        %mul3A_177 = arith.muli %mul3A_176, %scan3A_112 : i32
        %add3A_178 = arith.constant 1 : i32
        %add3A_179 = arith.addi %mul3A_177, %add3A_178 : i32
        %get3A_180 = arith.index_cast %add3A_179 : i32 to index
        %get3A_181 = arith.constant 16 : index
        %get3A_182 = tpu.vector_load %arg8[%get3A_180, %get3A_181] {strides = array<i32>} : memref<128x64xf32, #tpu.memory_space<vmem>>, vector<1x16xf32>,
        %get3A_183 = vector.shape_cast %get3A_182 : vector<1x16xf32> to vector<16xf32>
        %swap3A_184 = arith.index_cast %scan3A_112 : i32 to index
        %swap3A_185 = arith.constant 80 : index
        %swap3A_186 = tpu.vector_load %arg10[%swap3A_184, %swap3A_185] {strides = array<i32>} : memref<64x128xf32, #tpu.memory_space<vmem>>, vector<1x16xf32>,
        %swap3A_187 = vector.shape_cast %swap3A_186 : vector<1x16xf32> to vector<16xf32>
        %swap3A_188 = vector.shape_cast %get3A_183 : vector<16xf32> to vector<1x16xf32>
        tpu.vector_store %arg10[%swap3A_184, %swap3A_185], %swap3A_188 {add = true, strides = array<i32>} : memref<64x128xf32, #tpu.memory_space<vmem>>, vector<1x16xf32>,
        %mul3A_189 = arith.constant 2 : i32
        %mul3A_190 = arith.muli %mul3A_189, %scan3A_112 : i32
        %add3A_191 = arith.constant 1 : i32
        %add3A_192 = arith.addi %mul3A_190, %add3A_191 : i32
        %get3A_193 = arith.index_cast %add3A_192 : i32 to index
        %get3A_194 = arith.constant 32 : index
        %get3A_195 = tpu.vector_load %arg8[%get3A_193, %get3A_194] {strides = array<i32>} : memref<128x64xf32, #tpu.memory_space<vmem>>, vector<1x16xf32>,
        %get3A_196 = vector.shape_cast %get3A_195 : vector<1x16xf32> to vector<16xf32>
        %swap3A_197 = arith.index_cast %scan3A_112 : i32 to index
        %swap3A_198 = arith.constant 96 : index
        %swap3A_199 = tpu.vector_load %arg10[%swap3A_197, %swap3A_198] {strides = array<i32>} : memref<64x128xf32, #tpu.memory_space<vmem>>, vector<1x16xf32>,
        %swap3A_200 = vector.shape_cast %swap3A_199 : vector<1x16xf32> to vector<16xf32>
        %swap3A_201 = vector.shape_cast %get3A_196 : vector<16xf32> to vector<1x16xf32>
        tpu.vector_store %arg10[%swap3A_197, %swap3A_198], %swap3A_201 {add = true, strides = array<i32>} : memref<64x128xf32, #tpu.memory_space<vmem>>, vector<1x16xf32>,
        %mul3A_202 = arith.constant 2 : i32
        %mul3A_203 = arith.muli %mul3A_202, %scan3A_112 : i32
        %add3A_204 = arith.constant 1 : i32
        %add3A_205 = arith.addi %mul3A_203, %add3A_204 : i32
        %get3A_206 = arith.index_cast %add3A_205 : i32 to index
        %get3A_207 = arith.constant 48 : index
        %get3A_208 = tpu.vector_load %arg8[%get3A_206, %get3A_207] {strides = array<i32>} : memref<128x64xf32, #tpu.memory_space<vmem>>, vector<1x16xf32>,
        %get3A_209 = vector.shape_cast %get3A_208 : vector<1x16xf32> to vector<16xf32>
        %swap3A_210 = arith.index_cast %scan3A_112 : i32 to index
        %swap3A_211 = arith.constant 112 : index
        %swap3A_212 = tpu.vector_load %arg10[%swap3A_210, %swap3A_211] {strides = array<i32>} : memref<64x128xf32, #tpu.memory_space<vmem>>, vector<1x16xf32>,
        %swap3A_213 = vector.shape_cast %swap3A_212 : vector<1x16xf32> to vector<16xf32>
        %swap3A_214 = vector.shape_cast %get3A_209 : vector<16xf32> to vector<1x16xf32>
        tpu.vector_store %arg10[%swap3A_210, %swap3A_211], %swap3A_214 {add = true, strides = array<i32>} : memref<64x128xf32, #tpu.memory_space<vmem>>, vector<1x16xf32>,
      }
      %scan3A_93 = arith.constant 64 : i32
      %mul3A_94 = arith.constant 64 : i32
      %mul3A_95 = arith.muli %add3A_48, %mul3A_94 : i32
      %add3A_96 = arith.addi %mul3A_2, %mul3A_95 : i32
      %dma_start3A_97 = arith.constant 0 : i32
      %dma_start3A_98 = tpu.memref_slice %arg5[%add3A_96, %dma_start3A_97] : memref<102400x128xf32, #tpu.memory_space<hbm>> -> memref<64x128xf32, #tpu.memory_space<hbm>>
      %dma_start3A_99 = arith.constant 0 : i32
      %dma_start3A_100 = tpu.memref_slice %arg5[%add3A_96, %dma_start3A_99] : memref<102400x128xf32, #tpu.memory_space<hbm>> -> memref<64x128xf32, #tpu.memory_space<hbm>>
      tpu.enqueue_dma source(%arg10 : memref<64x128xf32, #tpu.memory_space<vmem>>) target(%dma_start3A_100 : memref<64x128xf32, #tpu.memory_space<hbm>>) target_semaphore(%arg16 : memref<!tpu.dma_semaphore, #tpu.memory_space<semaphore_mem>>)
      %add3A_101 = arith.constant 2 : i32
      %add3A_102 = arith.addi %mul3A_46, %add3A_101 : i32
      %lt3A = arith.constant 50 : i32
      %lt3A_103 = arith.cmpi slt, %add3A_102, %lt3A : i32
      %convert_element_type3A = arith.extui %lt3A_103 : i1 to i32
      %cond3A = arith.constant 0 : i32
      %cond3A_104 = arith.cmpi ne, %convert_element_type3A, %cond3A : i32
      scf.if %cond3A_104 {
        %dma_wait3A_112 = arith.constant 0 : i32
        %dma_wait3A_113 = arith.constant 0 : i32
        %dma_wait3A_114 = tpu.memref_slice %arg5[%dma_wait3A_112, %dma_wait3A_113] : memref<102400x128xf32, #tpu.memory_space<hbm>> -> memref<64x128xf32, #tpu.memory_space<hbm>>
        %dma_wait3A_115 = arith.constant 0 : i32
        %dma_wait3A_116 = arith.constant 0 : i32
        %dma_wait3A_117 = tpu.memref_slice %arg5[%dma_wait3A_115, %dma_wait3A_116] : memref<102400x128xf32, #tpu.memory_space<hbm>> -> memref<64x128xf32, #tpu.memory_space<hbm>>
        tpu.wait_dma2 semaphore(%arg15 : memref<!tpu.dma_semaphore, #tpu.memory_space<semaphore_mem>>) src(%arg9 : memref<64x128xf32, #tpu.memory_space<vmem>>) dst(%dma_wait3A_117 : memref<64x128xf32, #tpu.memory_space<hbm>>)
        %add3A_118 = arith.constant 2 : i32
        %add3A_119 = arith.addi %mul3A_46, %add3A_118 : i32
        %dma_start3A_120 = arith.constant 0 : i32
        %dma_start3A_121 = tpu.memref_slice %arg6[%add3A_119, %dma_start3A_120] : memref<50x128xi32, #tpu.memory_space<vmem>> -> memref<1x128xi32, #tpu.memory_space<vmem>>
        %dma_start3A_122 = tpu.memref_squeeze %dma_start3A_121 : memref<1x128xi32, #tpu.memory_space<vmem>> -> memref<128xi32, #tpu.memory_space<vmem>>
        %dma_start3A_123 = arith.constant 0 : i32
        %dma_start3A_124 = arith.constant 0 : i32
        %dma_start3A_125 = tpu.memref_slice %arg2[%dma_start3A_123, %dma_start3A_124] : memref<1000000x64xf32, #tpu.memory_space<hbm>> -> memref<1000000x64xf32, #tpu.memory_space<hbm>>
        tpu.enqueue_indirect_dma source(%dma_start3A_125 : memref<1000000x64xf32, #tpu.memory_space<hbm>>) target(%arg7 : memref<128x64xf32, #tpu.memory_space<vmem>>) offsets(%dma_start3A_122 : memref<128xi32, #tpu.memory_space<vmem>>) semaphore(%arg11 : memref<!tpu.dma_semaphore, #tpu.memory_space<semaphore_mem>>)
        %mul3A_126 = arith.constant 64 : i32
        %mul3A_127 = arith.muli %add3A_119, %mul3A_126 : i32
        %add3A_128 = arith.addi %mul3A_2, %mul3A_127 : i32
        %dma_start3A_129 = arith.constant 0 : i32
        %dma_start3A_130 = tpu.memref_slice %arg4[%add3A_128, %dma_start3A_129] : memref<102400x128xf32, #tpu.memory_space<hbm>> -> memref<64x128xf32, #tpu.memory_space<hbm>>
        %dma_start3A_131 = arith.constant 0 : i32
        %dma_start3A_132 = tpu.memref_slice %arg4[%add3A_128, %dma_start3A_131] : memref<102400x128xf32, #tpu.memory_space<hbm>> -> memref<64x128xf32, #tpu.memory_space<hbm>>
        tpu.enqueue_dma source(%dma_start3A_132 : memref<64x128xf32, #tpu.memory_space<hbm>>) target(%arg9 : memref<64x128xf32, #tpu.memory_space<vmem>>) target_semaphore(%arg13 : memref<!tpu.dma_semaphore, #tpu.memory_space<semaphore_mem>>)
      } else {
      }
      %add3A_105 = arith.constant 2 : i32
      %add3A_106 = arith.addi %add3A_48, %add3A_105 : i32
      %lt3A_107 = arith.constant 50 : i32
      %lt3A_108 = arith.cmpi slt, %add3A_106, %lt3A_107 : i32
      %convert_element_type3A_109 = arith.extui %lt3A_108 : i1 to i32
      %cond3A_110 = arith.constant 0 : i32
      %cond3A_111 = arith.cmpi ne, %convert_element_type3A_109, %cond3A_110 : i32
      scf.if %cond3A_111 {
        %dma_wait3A_112 = arith.constant 0 : i32
        %dma_wait3A_113 = arith.constant 0 : i32
        %dma_wait3A_114 = tpu.memref_slice %arg5[%dma_wait3A_112, %dma_wait3A_113] : memref<102400x128xf32, #tpu.memory_space<hbm>> -> memref<64x128xf32, #tpu.memory_space<hbm>>
        %dma_wait3A_115 = arith.constant 0 : i32
        %dma_wait3A_116 = arith.constant 0 : i32
        %dma_wait3A_117 = tpu.memref_slice %arg5[%dma_wait3A_115, %dma_wait3A_116] : memref<102400x128xf32, #tpu.memory_space<hbm>> -> memref<64x128xf32, #tpu.memory_space<hbm>>
        tpu.wait_dma2 semaphore(%arg16 : memref<!tpu.dma_semaphore, #tpu.memory_space<semaphore_mem>>) src(%arg10 : memref<64x128xf32, #tpu.memory_space<vmem>>) dst(%dma_wait3A_117 : memref<64x128xf32, #tpu.memory_space<hbm>>)
        %add3A_118 = arith.constant 2 : i32
        %add3A_119 = arith.addi %add3A_48, %add3A_118 : i32
        %dma_start3A_120 = arith.constant 0 : i32
        %dma_start3A_121 = tpu.memref_slice %arg6[%add3A_119, %dma_start3A_120] : memref<50x128xi32, #tpu.memory_space<vmem>> -> memref<1x128xi32, #tpu.memory_space<vmem>>
        %dma_start3A_122 = tpu.memref_squeeze %dma_start3A_121 : memref<1x128xi32, #tpu.memory_space<vmem>> -> memref<128xi32, #tpu.memory_space<vmem>>
        %dma_start3A_123 = arith.constant 0 : i32
        %dma_start3A_124 = arith.constant 0 : i32
        %dma_start3A_125 = tpu.memref_slice %arg2[%dma_start3A_123, %dma_start3A_124] : memref<1000000x64xf32, #tpu.memory_space<hbm>> -> memref<1000000x64xf32, #tpu.memory_space<hbm>>
        tpu.enqueue_indirect_dma source(%dma_start3A_125 : memref<1000000x64xf32, #tpu.memory_space<hbm>>) target(%arg8 : memref<128x64xf32, #tpu.memory_space<vmem>>) offsets(%dma_start3A_122 : memref<128xi32, #tpu.memory_space<vmem>>) semaphore(%arg12 : memref<!tpu.dma_semaphore, #tpu.memory_space<semaphore_mem>>)
        %mul3A_126 = arith.constant 64 : i32
        %mul3A_127 = arith.muli %add3A_119, %mul3A_126 : i32
        %add3A_128 = arith.addi %mul3A_2, %mul3A_127 : i32
        %dma_start3A_129 = arith.constant 0 : i32
        %dma_start3A_130 = tpu.memref_slice %arg4[%add3A_128, %dma_start3A_129] : memref<102400x128xf32, #tpu.memory_space<hbm>> -> memref<64x128xf32, #tpu.memory_space<hbm>>
        %dma_start3A_131 = arith.constant 0 : i32
        %dma_start3A_132 = tpu.memref_slice %arg4[%add3A_128, %dma_start3A_131] : memref<102400x128xf32, #tpu.memory_space<hbm>> -> memref<64x128xf32, #tpu.memory_space<hbm>>
        tpu.enqueue_dma source(%dma_start3A_132 : memref<64x128xf32, #tpu.memory_space<hbm>>) target(%arg10 : memref<64x128xf32, #tpu.memory_space<vmem>>) target_semaphore(%arg14 : memref<!tpu.dma_semaphore, #tpu.memory_space<semaphore_mem>>)
      } else {
      }
    }
    %scan3A_32 = arith.constant 25 : i32
    %dma_wait3A = arith.constant 0 : i32
    %dma_wait3A_33 = arith.constant 0 : i32
    %dma_wait3A_34 = tpu.memref_slice %arg5[%dma_wait3A, %dma_wait3A_33] : memref<102400x128xf32, #tpu.memory_space<hbm>> -> memref<64x128xf32, #tpu.memory_space<hbm>>
    %dma_wait3A_35 = arith.constant 0 : i32
    %dma_wait3A_36 = arith.constant 0 : i32
    %dma_wait3A_37 = tpu.memref_slice %arg5[%dma_wait3A_35, %dma_wait3A_36] : memref<102400x128xf32, #tpu.memory_space<hbm>> -> memref<64x128xf32, #tpu.memory_space<hbm>>
    tpu.wait_dma2 semaphore(%arg15 : memref<!tpu.dma_semaphore, #tpu.memory_space<semaphore_mem>>) src(%arg9 : memref<64x128xf32, #tpu.memory_space<vmem>>) dst(%dma_wait3A_37 : memref<64x128xf32, #tpu.memory_space<hbm>>)
    %dma_wait3A_38 = arith.constant 0 : i32
    %dma_wait3A_39 = arith.constant 0 : i32
    %dma_wait3A_40 = tpu.memref_slice %arg5[%dma_wait3A_38, %dma_wait3A_39] : memref<102400x128xf32, #tpu.memory_space<hbm>> -> memref<64x128xf32, #tpu.memory_space<hbm>>
    %dma_wait3A_41 = arith.constant 0 : i32
    %dma_wait3A_42 = arith.constant 0 : i32
    %dma_wait3A_43 = tpu.memref_slice %arg5[%dma_wait3A_41, %dma_wait3A_42] : memref<102400x128xf32, #tpu.memory_space<hbm>> -> memref<64x128xf32, #tpu.memory_space<hbm>>
    tpu.wait_dma2 semaphore(%arg16 : memref<!tpu.dma_semaphore, #tpu.memory_space<semaphore_mem>>) src(%arg10 : memref<64x128xf32, #tpu.memory_space<vmem>>) dst(%dma_wait3A_43 : memref<64x128xf32, #tpu.memory_space<hbm>>)
    return
  }
}

module attributes {stable_mosaic.version = 14 : i64} {
  func.func @body(%arg0: i32, %arg1: memref<1024x8xf32, #tpu.memory_space<vmem>>, %arg2: memref<1x1xf32, #tpu.memory_space<vmem>>, %arg3: memref<1x1xf32, #tpu.memory_space<vmem>>, %arg4: memref<1x128xf32, #tpu.memory_space<vmem>>, %arg5: memref<1x128xf32, #tpu.memory_space<vmem>>, %arg6: memref<1x128xf32, #tpu.memory_space<vmem>>, %arg7: memref<128x128xf32, #tpu.memory_space<vmem>>, %arg8: memref<1x128xf32, #tpu.memory_space<vmem>>, %arg9: memref<1x128xf32, #tpu.memory_space<vmem>>, %arg10: memref<1x128xf32, #tpu.memory_space<vmem>>, %arg11: memref<1024x128xf32, #tpu.memory_space<vmem>>) attributes {dimension_semantics = [#tpu.dimension_semantics<arbitrary>], iteration_bounds = array<i64: 100>, scalar_prefetch = 0 : i64, scratch_operands = 0 : i64, tpu.core_type = #tpu.core_type<tc>, window_params = [{transform_indices = @transform_0, window_bounds = array<i64: 1024, 8>}, {pipeline_mode = #tpu.pipeline_mode<synchronous>, transform_indices = @transform_1, window_bounds = array<i64: 1, 1>}, {pipeline_mode = #tpu.pipeline_mode<synchronous>, transform_indices = @transform_2, window_bounds = array<i64: 1, 1>}, {pipeline_mode = #tpu.pipeline_mode<synchronous>, transform_indices = @transform_3, window_bounds = array<i64: 1, 128>}, {pipeline_mode = #tpu.pipeline_mode<synchronous>, transform_indices = @transform_4, window_bounds = array<i64: 1, 128>}, {pipeline_mode = #tpu.pipeline_mode<synchronous>, transform_indices = @transform_5, window_bounds = array<i64: 1, 128>}, {pipeline_mode = #tpu.pipeline_mode<synchronous>, transform_indices = @transform_6, window_bounds = array<i64: 128, 128>}, {pipeline_mode = #tpu.pipeline_mode<synchronous>, transform_indices = @transform_7, window_bounds = array<i64: 1, 128>}, {pipeline_mode = #tpu.pipeline_mode<synchronous>, transform_indices = @transform_8, window_bounds = array<i64: 1, 128>}, {pipeline_mode = #tpu.pipeline_mode<synchronous>, transform_indices = @transform_9, window_bounds = array<i64: 1, 128>}, {transform_indices = @transform_10, window_bounds = array<i64: 1024, 128>}]} {
    %get3A = arith.constant 0 : index
    %get3A_0 = arith.constant 0 : index
    %get3A_1 = vector.load %arg1[%get3A, %get3A_0] : memref<1024x8xf32, #tpu.memory_space<vmem>>, vector<1024x8xf32>
    %slice3A = vector.extract_strided_slice %get3A_1 {offsets = [0, 0], sizes = [1024, 1], strides = [1, 1]} : vector<1024x8xf32> to vector<1024x1xf32>
    %broadcast_in_dim3A = vector.shape_cast %slice3A : vector<1024x1xf32> to vector<1024x1xf32>
    %broadcast_in_dim3A_2 = vector.broadcast %broadcast_in_dim3A : vector<1024x1xf32> to vector<1024x64xf32>
    %slice3A_3 = vector.extract_strided_slice %get3A_1 {offsets = [0, 4], sizes = [1024, 1], strides = [1, 1]} : vector<1024x8xf32> to vector<1024x1xf32>
    %broadcast_in_dim3A_4 = vector.shape_cast %slice3A_3 : vector<1024x1xf32> to vector<1024x1xf32>
    %broadcast_in_dim3A_5 = vector.broadcast %broadcast_in_dim3A_4 : vector<1024x1xf32> to vector<1024x64xf32>
    %concatenate3A = tpu.concatenate %broadcast_in_dim3A_2, %broadcast_in_dim3A_5 in 1 : vector<1024x64xf32>, vector<1024x64xf32> -> vector<1024x128xf32>
    %slice3A_6 = vector.extract_strided_slice %get3A_1 {offsets = [0, 1], sizes = [1024, 1], strides = [1, 1]} : vector<1024x8xf32> to vector<1024x1xf32>
    %broadcast_in_dim3A_7 = vector.shape_cast %slice3A_6 : vector<1024x1xf32> to vector<1024x1xf32>
    %broadcast_in_dim3A_8 = vector.broadcast %broadcast_in_dim3A_7 : vector<1024x1xf32> to vector<1024x64xf32>
    %slice3A_9 = vector.extract_strided_slice %get3A_1 {offsets = [0, 5], sizes = [1024, 1], strides = [1, 1]} : vector<1024x8xf32> to vector<1024x1xf32>
    %broadcast_in_dim3A_10 = vector.shape_cast %slice3A_9 : vector<1024x1xf32> to vector<1024x1xf32>
    %broadcast_in_dim3A_11 = vector.broadcast %broadcast_in_dim3A_10 : vector<1024x1xf32> to vector<1024x64xf32>
    %concatenate3A_12 = tpu.concatenate %broadcast_in_dim3A_8, %broadcast_in_dim3A_11 in 1 : vector<1024x64xf32>, vector<1024x64xf32> -> vector<1024x128xf32>
    %slice3A_13 = vector.extract_strided_slice %get3A_1 {offsets = [0, 2], sizes = [1024, 1], strides = [1, 1]} : vector<1024x8xf32> to vector<1024x1xf32>
    %broadcast_in_dim3A_14 = vector.shape_cast %slice3A_13 : vector<1024x1xf32> to vector<1024x1xf32>
    %broadcast_in_dim3A_15 = vector.broadcast %broadcast_in_dim3A_14 : vector<1024x1xf32> to vector<1024x64xf32>
    %slice3A_16 = vector.extract_strided_slice %get3A_1 {offsets = [0, 6], sizes = [1024, 1], strides = [1, 1]} : vector<1024x8xf32> to vector<1024x1xf32>
    %broadcast_in_dim3A_17 = vector.shape_cast %slice3A_16 : vector<1024x1xf32> to vector<1024x1xf32>
    %broadcast_in_dim3A_18 = vector.broadcast %broadcast_in_dim3A_17 : vector<1024x1xf32> to vector<1024x64xf32>
    %concatenate3A_19 = tpu.concatenate %broadcast_in_dim3A_15, %broadcast_in_dim3A_18 in 1 : vector<1024x64xf32>, vector<1024x64xf32> -> vector<1024x128xf32>
    %slice3A_20 = vector.extract_strided_slice %get3A_1 {offsets = [0, 3], sizes = [1024, 1], strides = [1, 1]} : vector<1024x8xf32> to vector<1024x1xf32>
    %broadcast_in_dim3A_21 = vector.shape_cast %slice3A_20 : vector<1024x1xf32> to vector<1024x1xf32>
    %broadcast_in_dim3A_22 = vector.broadcast %broadcast_in_dim3A_21 : vector<1024x1xf32> to vector<1024x64xf32>
    %slice3A_23 = vector.extract_strided_slice %get3A_1 {offsets = [0, 7], sizes = [1024, 1], strides = [1, 1]} : vector<1024x8xf32> to vector<1024x1xf32>
    %broadcast_in_dim3A_24 = vector.shape_cast %slice3A_23 : vector<1024x1xf32> to vector<1024x1xf32>
    %broadcast_in_dim3A_25 = vector.broadcast %broadcast_in_dim3A_24 : vector<1024x1xf32> to vector<1024x64xf32>
    %concatenate3A_26 = tpu.concatenate %broadcast_in_dim3A_22, %broadcast_in_dim3A_25 in 1 : vector<1024x64xf32>, vector<1024x64xf32> -> vector<1024x128xf32>
    %get3A_27 = arith.constant 0 : index
    %get3A_28 = arith.constant 0 : index
    %get3A_29 = vector.load %arg2[%get3A_27, %get3A_28] : memref<1x1xf32, #tpu.memory_space<vmem>>, vector<1x1xf32>
    %get3A_30 = vector.extract %get3A_29[0, 0] : f32 from vector<1x1xf32>
    %mul3A = vector.broadcast %get3A_30 : f32 to vector<1024x128xf32>
    %mul3A_31 = arith.mulf %concatenate3A, %mul3A : vector<1024x128xf32>
    %get3A_32 = arith.constant 0 : index
    %get3A_33 = arith.constant 0 : index
    %get3A_34 = vector.load %arg3[%get3A_32, %get3A_33] : memref<1x1xf32, #tpu.memory_space<vmem>>, vector<1x1xf32>
    %get3A_35 = vector.extract %get3A_34[0, 0] : f32 from vector<1x1xf32>
    %add3A = vector.broadcast %get3A_35 : f32 to vector<1024x128xf32>
    %add3A_36 = arith.addf %mul3A_31, %add3A : vector<1024x128xf32>
    %get3A_37 = arith.constant 0 : index
    %get3A_38 = arith.constant 0 : index
    %get3A_39 = vector.load %arg4[%get3A_37, %get3A_38] : memref<1x128xf32, #tpu.memory_space<vmem>>, vector<1x128xf32>
    %mul3A_40 = vector.broadcast %get3A_39 : vector<1x128xf32> to vector<1024x128xf32>
    %mul3A_41 = arith.mulf %concatenate3A, %mul3A_40 : vector<1024x128xf32>
    %get3A_42 = arith.constant 0 : index
    %get3A_43 = arith.constant 0 : index
    %get3A_44 = vector.load %arg5[%get3A_42, %get3A_43] : memref<1x128xf32, #tpu.memory_space<vmem>>, vector<1x128xf32>
    %add3A_45 = vector.broadcast %get3A_44 : vector<1x128xf32> to vector<1024x128xf32>
    %add3A_46 = arith.addf %mul3A_41, %add3A_45 : vector<1024x128xf32>
    %mul3A_47 = arith.constant 0.159154937 : f32
    %mul3A_48 = vector.broadcast %mul3A_47 : f32 to vector<1024x128xf32>
    %mul3A_49 = arith.mulf %add3A_46, %mul3A_48 : vector<1024x128xf32>
    %add3A_50 = arith.constant 5.000000e-01 : f32
    %add3A_51 = vector.broadcast %add3A_50 : f32 to vector<1024x128xf32>
    %add3A_52 = arith.addf %mul3A_49, %add3A_51 : vector<1024x128xf32>
    %floor3A = math.floor %add3A_52 : vector<1024x128xf32>
    %mul3A_53 = arith.constant 6.28318548 : f32
    %mul3A_54 = vector.broadcast %mul3A_53 : f32 to vector<1024x128xf32>
    %mul3A_55 = arith.mulf %floor3A, %mul3A_54 : vector<1024x128xf32>
    %sub3A = arith.subf %add3A_46, %mul3A_55 : vector<1024x128xf32>
    %mul3A_56 = arith.mulf %sub3A, %sub3A : vector<1024x128xf32>
    %mul3A_57 = arith.constant 2.17325692E-6 : f32
    %mul3A_58 = vector.broadcast %mul3A_57 : f32 to vector<1024x128xf32>
    %mul3A_59 = arith.mulf %mul3A_56, %mul3A_58 : vector<1024x128xf32>
    %add3A_60 = arith.constant -1.93162705E-4 : f32
    %add3A_61 = vector.broadcast %add3A_60 : f32 to vector<1024x128xf32>
    %add3A_62 = arith.addf %add3A_61, %mul3A_59 : vector<1024x128xf32>
    %mul3A_63 = arith.mulf %mul3A_56, %add3A_62 : vector<1024x128xf32>
    %add3A_64 = arith.constant 0.00831238832 : f32
    %add3A_65 = vector.broadcast %add3A_64 : f32 to vector<1024x128xf32>
    %add3A_66 = arith.addf %add3A_65, %mul3A_63 : vector<1024x128xf32>
    %mul3A_67 = arith.mulf %mul3A_56, %add3A_66 : vector<1024x128xf32>
    %add3A_68 = arith.constant -0.166632593 : f32
    %add3A_69 = vector.broadcast %add3A_68 : f32 to vector<1024x128xf32>
    %add3A_70 = arith.addf %add3A_69, %mul3A_67 : vector<1024x128xf32>
    %mul3A_71 = arith.mulf %mul3A_56, %add3A_70 : vector<1024x128xf32>
    %add3A_72 = arith.constant 0.999984622 : f32
    %add3A_73 = vector.broadcast %add3A_72 : f32 to vector<1024x128xf32>
    %add3A_74 = arith.addf %add3A_73, %mul3A_71 : vector<1024x128xf32>
    %mul3A_75 = arith.mulf %sub3A, %add3A_74 : vector<1024x128xf32>
    %get3A_76 = arith.constant 0 : index
    %get3A_77 = arith.constant 0 : index
    %get3A_78 = vector.load %arg6[%get3A_76, %get3A_77] : memref<1x128xf32, #tpu.memory_space<vmem>>, vector<1x128xf32>
    %mul3A_79 = vector.broadcast %get3A_78 : vector<1x128xf32> to vector<1024x128xf32>
    %mul3A_80 = arith.mulf %add3A_36, %mul3A_79 : vector<1024x128xf32>
    %get3A_81 = arith.constant 0 : index
    %get3A_82 = arith.constant 0 : index
    %get3A_83 = vector.load %arg7[%get3A_81, %get3A_82] : memref<128x128xf32, #tpu.memory_space<vmem>>, vector<128x128xf32>
    %dot_general3A = arith.constant dense<0.000000e+00> : vector<1024x128xf32>
    %dot_general3A_84 = tpu.matmul %mul3A_75, %get3A_83, %dot_general3A {dimension_numbers = #tpu.dot_dimension_numbers<[1], [0], [0], [1], [0, 0, 1, 1], [], []>, transpose_lhs_hint = false} : vector<1024x128xf32>, vector<128x128xf32>, vector<1024x128xf32> -> vector<1024x128xf32>
    %add3A_85 = arith.addf %mul3A_80, %dot_general3A_84 : vector<1024x128xf32>
    %get3A_86 = arith.constant 0 : index
    %get3A_87 = arith.constant 0 : index
    %get3A_88 = vector.load %arg8[%get3A_86, %get3A_87] : memref<1x128xf32, #tpu.memory_space<vmem>>, vector<1x128xf32>
    %add3A_89 = vector.broadcast %get3A_88 : vector<1x128xf32> to vector<1024x128xf32>
    %add3A_90 = arith.addf %add3A_85, %add3A_89 : vector<1024x128xf32>
    %mul3A_91 = arith.mulf %add3A_90, %concatenate3A_12 : vector<1024x128xf32>
    %get3A_92 = arith.constant 0 : index
    %get3A_93 = arith.constant 0 : index
    %get3A_94 = vector.load %arg9[%get3A_92, %get3A_93] : memref<1x128xf32, #tpu.memory_space<vmem>>, vector<1x128xf32>
    %mul3A_95 = vector.broadcast %get3A_94 : vector<1x128xf32> to vector<1024x128xf32>
    %mul3A_96 = arith.mulf %concatenate3A_19, %mul3A_95 : vector<1024x128xf32>
    %get3A_97 = arith.constant 0 : index
    %get3A_98 = arith.constant 0 : index
    %get3A_99 = vector.load %arg10[%get3A_97, %get3A_98] : memref<1x128xf32, #tpu.memory_space<vmem>>, vector<1x128xf32>
    %mul3A_100 = vector.broadcast %get3A_99 : vector<1x128xf32> to vector<1024x128xf32>
    %mul3A_101 = arith.mulf %mul3A_100, %concatenate3A_26 : vector<1024x128xf32>
    %add3A_102 = arith.addf %mul3A_96, %mul3A_101 : vector<1024x128xf32>
    %add3A_103 = arith.addf %mul3A_91, %add3A_102 : vector<1024x128xf32>
    %swap3A = arith.constant 0 : index
    %swap3A_104 = arith.constant 0 : index
    %swap3A_105 = vector.load %arg11[%swap3A, %swap3A_104] : memref<1024x128xf32, #tpu.memory_space<vmem>>, vector<1024x128xf32>
    tpu.vector_store %arg11[%swap3A, %swap3A_104], %add3A_103 {strides = array<i32>} : memref<1024x128xf32, #tpu.memory_space<vmem>>, vector<1024x128xf32>,
    return
  }
  func.func @transform_0(%arg0: i32) -> (i32, i32) {
    %c0_i32 = arith.constant 0 : i32
    %c0_i32_0 = arith.constant 0 : i32
    return %arg0, %c0_i32 : i32, i32
  }
  func.func @transform_1(%arg0: i32) -> (i32, i32) {
    %c0_i32 = arith.constant 0 : i32
    %c0_i32_0 = arith.constant 0 : i32
    %c0_i32_1 = arith.constant 0 : i32
    return %c0_i32, %c0_i32_0 : i32, i32
  }
  func.func @transform_2(%arg0: i32) -> (i32, i32) {
    %c0_i32 = arith.constant 0 : i32
    %c0_i32_0 = arith.constant 0 : i32
    %c0_i32_1 = arith.constant 0 : i32
    return %c0_i32, %c0_i32_0 : i32, i32
  }
  func.func @transform_3(%arg0: i32) -> (i32, i32) {
    %c0_i32 = arith.constant 0 : i32
    %c0_i32_0 = arith.constant 0 : i32
    %c0_i32_1 = arith.constant 0 : i32
    return %c0_i32, %c0_i32_0 : i32, i32
  }
  func.func @transform_4(%arg0: i32) -> (i32, i32) {
    %c0_i32 = arith.constant 0 : i32
    %c0_i32_0 = arith.constant 0 : i32
    %c0_i32_1 = arith.constant 0 : i32
    return %c0_i32, %c0_i32_0 : i32, i32
  }
  func.func @transform_5(%arg0: i32) -> (i32, i32) {
    %c0_i32 = arith.constant 0 : i32
    %c0_i32_0 = arith.constant 0 : i32
    %c0_i32_1 = arith.constant 0 : i32
    return %c0_i32, %c0_i32_0 : i32, i32
  }
  func.func @transform_6(%arg0: i32) -> (i32, i32) {
    %c0_i32 = arith.constant 0 : i32
    %c0_i32_0 = arith.constant 0 : i32
    %c0_i32_1 = arith.constant 0 : i32
    return %c0_i32, %c0_i32_0 : i32, i32
  }
  func.func @transform_7(%arg0: i32) -> (i32, i32) {
    %c0_i32 = arith.constant 0 : i32
    %c0_i32_0 = arith.constant 0 : i32
    %c0_i32_1 = arith.constant 0 : i32
    return %c0_i32, %c0_i32_0 : i32, i32
  }
  func.func @transform_8(%arg0: i32) -> (i32, i32) {
    %c0_i32 = arith.constant 0 : i32
    %c0_i32_0 = arith.constant 0 : i32
    %c0_i32_1 = arith.constant 0 : i32
    return %c0_i32, %c0_i32_0 : i32, i32
  }
  func.func @transform_9(%arg0: i32) -> (i32, i32) {
    %c0_i32 = arith.constant 0 : i32
    %c0_i32_0 = arith.constant 0 : i32
    %c0_i32_1 = arith.constant 0 : i32
    return %c0_i32, %c0_i32_0 : i32, i32
  }
  func.func @transform_10(%arg0: i32) -> (i32, i32) {
    %c0_i32 = arith.constant 0 : i32
    %c0_i32_0 = arith.constant 0 : i32
    return %arg0, %c0_i32 : i32, i32
  }
}

</mosaic_0001>

<sc_bundles>
// kernel: kernel.4.cloned.1.call-start
scs
__scs_entry_jumppad:
0x0: {  	(pc) =	sbr.rel $0x88, $3  }
0x1: {  	(tag) =	ssettag $0x0;
	lr =	simm.s32 $0x1  }
0x2: {  	[smem:$0x3F93] =	sst lr;
	_ =	strace $0xD0000000  }
0x3: {  	_ = 	snop  }
0x4: {  	_ = 	snop  }
0x5: {  	_ = 	snop  }
0x6: {  	_ = 	snop  }
0x7: {  	_ = 	snop  }
__scs_overlays_trampoline_lowered:
0x8: {  	[smem:$0x3FA2] =	sst s0  }
0x9: {  	[smem:$0x3FA3] =	sst s1  }
0xa: {  	[smem:$0x3FA4] =	sst s2  }
0xb: {  	[smem:$0x3FA5] =	sst s3  }
0xc: {  	[smem:$0x3FA6] =	sst s4  }
0xd: {  	[smem:$0x3FA7] =	sst s5  }
0xe: {  	[smem:$0x3FA8] =	sst s6  }
0xf: {  	[smem:$0x3FA9] =	sst s7  }
0x10: {  	[smem:$0x3FAA] =	sst s8  }
0x11: {  	[smem:$0x3FAB] =	sst s9;
	s0 =	simm.s32 @!p0 $0x0  }
0x12: {  	s1 =	sld [smem:$0x3F91];
	s0 =	simm.s32 @p0 $0x1  }
0x13: {  	[smem:$0x3FAC] =	sst s0;
	s0 =	simm.s32 @!p1 $0x0  }
0x14: {  	s2 =	sld [smem:$0x3F90];
	s0 =	simm.s32 @p1 $0x1  }
0x15: {  	[smem:$0x3FAD] =	sst s0;
	s0 =	simm.s32 @!p2 $0x0  }
0x16: {  	s3 =	sld [smem:$0x3FDB];
	s0 =	simm.s32 @p2 $0x1  }
0x17: {  	s4 =	simm.s32 $0x1BF5;
	[smem:$0x3FAF] =	sst s0  }
0x18: {  	s0 =	sld [smem:$0x3F92];
	_ =	swait.ge [sflag:s4], $0x0  }
0x19: {  	s7 =	sld [smem:$0x3F93]  }
0x1a: {  	s8 =	sadd.s32 $0xFFFFE003, lr  }
0x1b: {  	s9 =	sadd.s32 $0xFFFFFEF7, lr;
	s5 =	simm.s32 $0xFFFFFFFF;
	p2 =	slt.u32 s8, $0xFFFFF086  }
0x1c: {  	p1 =	slt.u32 s9, $0xF7A;
	s5 =	simm.s32 @!p2 $0x0  }
0x1d: {  	s5 =	simm.s32 @p1 $0x1;
	p0 =	seq.s32 s7, s2  }
0x1e: {  	s7 =	smul.u32 @!p0 $0xF7A, s2;
	p2 =	seq.s32 @!p0 s5, $0x0  }
0x1f: {  	s9 =	smul.u32 $0xF7A, s1;
	s8 =	simm.s32 @!p0 $0x1BF5;
	p2 =	por !p2, p0  }
0x20: {  	[sflag:s8] =	ssyncset.s32 @!p0 $0xFFFFF086;
	s6 =	sadd.s32 @!p0 s3, s7;
	s7 =	simm.s32 @!p0 $0x108  }
0x21: {  	s3 =	sadd.s32 s3, s9;
	s6 =	sadd.s32 @!p0 $0x88, s6;
	s7 =	simm.s32 @p2 $0x1082  }
0x22: {  	[simem:s7], [sflag:s8] =	dma.local @!p0 [hbm:s6], $0xF7A  }
0x23: {  	s9 =	sor.u32 $0xD0000000, s2;
	s6 =	simm.s32 $0x108;
	_ =	swait.ge @!p0 [sflag:s8], $0x0  }
0x24: {  	s3 =	sadd.s32 $0x88, s3;
	s6 =	simm.s32 @!p1 $0x1082;
	[sflag:s4] =	ssyncset.s32 $0xFFFFF086  }
0x25: {  	[simem:s6], [sflag:s4] =	dma.local [hbm:s3], $0xF7A  }
0x26: {  	[smem:$0x3F93] =	sst s1;
	(tag) =	ssettag s2;
	_ =	strace s9  }
0x27: {  	s1 =	sld [smem:$0x3FA3]  }
0x28: {  	s2 =	sld [smem:$0x3FA4]  }
0x29: {  	s4 =	sld [smem:$0x3FA6]  }
0x2a: {  	p0 =	seq.s32 s5, $0x0;
	s5 =	sld [smem:$0x3FA7]  }
0x2b: {  	s6 =	sld [smem:$0x3FA8]  }
0x2c: {  	s7 =	sld [smem:$0x3FA9]  }
0x2d: {  	s3 =	simm.s32 $0x108;
	s8 =	sld [smem:$0x3FAA]  }
0x2e: {  	s3 =	simm.s32 @!p0 $0x1082;
	s9 =	sld [smem:$0x3FAB]  }
0x2f: {  	lr =	sadd.s32 s0, s3;
	s0 =	sld [smem:$0x3FA2]  }
0x30: {  	s3 =	sld [smem:$0x3FA5]  }
0x31: {  	[smem:$0x3FAE] =	sst s10  }
0x32: {  	s10 =	sld [smem:$0x3FAC];
	_ =	sdelay $0x3  }
0x33: {  	p0 =	seq.s32 s10, $0x1;
	s10 =	sld [smem:$0x3FAE];
	_ =	sdelay $0x3  }
0x34: {  	[smem:$0x3FAE] =	sst s10  }
0x35: {  	s10 =	sld [smem:$0x3FAD];
	_ =	sdelay $0x3  }
0x36: {  	p1 =	seq.s32 s10, $0x1;
	s10 =	sld [smem:$0x3FAE];
	_ =	sdelay $0x3  }
0x37: {  	[smem:$0x3FAE] =	sst s10  }
0x38: {  	s10 =	sld [smem:$0x3FAF]  }
0x39: {  	_ = 	snop;
	(pc) =	sbr.ind lr, $3  }
0x3a: {  	_ = 	snop  }
0x3b: {  	_ = 	snop  }
0x3c: {  	p2 =	seq.s32 s10, $0x1;
	s10 =	sld [smem:$0x3FAE]  }
0x3d: {  	_ =	shalt  }
0x3e: {  	_ =	shalt  }
0x3f: {  	_ =	shalt  }
0x40: {  	_ =	shalt  }
0x41: {  	_ =	shalt  }
0x42: {  	_ =	shalt  }
0x43: {  	_ =	shalt  }
0x44: {  	_ =	shalt  }
0x45: {  	_ =	shalt  }
0x46: {  	_ =	shalt  }
0x47: {  	_ =	shalt  }
0x48: {  	_ =	shalt  }
0x49: {  	_ =	shalt  }
0x4a: {  	_ =	shalt  }
0x4b: {  	_ =	shalt  }
0x4c: {  	_ =	shalt  }
0x4d: {  	_ =	shalt  }
0x4e: {  	_ =	shalt  }
0x4f: {  	_ =	shalt  }
0x50: {  	_ =	shalt  }
0x51: {  	_ =	shalt  }
0x52: {  	_ =	shalt  }
0x53: {  	_ =	shalt  }
0x54: {  	_ =	shalt  }
0x55: {  	_ =	shalt  }
0x56: {  	_ =	shalt  }
0x57: {  	_ =	shalt  }
0x58: {  	_ =	shalt  }
0x59: {  	_ =	shalt  }
0x5a: {  	_ =	shalt  }
0x5b: {  	_ =	shalt  }
0x5c: {  	_ =	shalt  }
0x5d: {  	_ =	shalt  }
0x5e: {  	_ =	shalt  }
0x5f: {  	_ =	shalt  }
0x60: {  	_ =	shalt  }
0x61: {  	_ =	shalt  }
0x62: {  	_ =	shalt  }
0x63: {  	_ =	shalt  }
0x64: {  	_ =	shalt  }
0x65: {  	_ =	shalt  }
0x66: {  	_ =	shalt  }
0x67: {  	_ =	shalt  }
0x68: {  	_ =	shalt  }
0x69: {  	_ =	shalt  }
0x6a: {  	_ =	shalt  }
0x6b: {  	_ =	shalt  }
0x6c: {  	_ =	shalt  }
0x6d: {  	_ =	shalt  }
0x6e: {  	_ =	shalt  }
0x6f: {  	_ =	shalt  }
0x70: {  	_ =	shalt  }
0x71: {  	_ =	shalt  }
0x72: {  	_ =	shalt  }
0x73: {  	_ =	shalt  }
0x74: {  	_ =	shalt  }
0x75: {  	_ =	shalt  }
0x76: {  	_ =	shalt  }
0x77: {  	_ =	shalt  }
0x78: {  	_ =	shalt  }
0x79: {  	_ =	shalt  }
0x7a: {  	_ =	shalt  }
0x7b: {  	_ =	shalt  }
0x7c: {  	_ =	shalt  }
0x7d: {  	_ =	shalt  }
0x7e: {  	_ =	shalt  }
0x7f: {  	_ =	shalt  }
0x80: {  	_ =	shalt  }
0x81: {  	_ =	shalt  }
0x82: {  	_ =	shalt  }
0x83: {  	_ =	shalt  }
0x84: {  	_ =	shalt  }
0x85: {  	_ =	shalt  }
0x86: {  	_ =	shalt  }
0x87: {  	_ =	shalt  }
.Lfunc_end0:
.L_simem_size_0:
called_computation.1_lowered:
.L_overlay_start_0:
0x88: {  	s2 =	sld [smem:$0x3FD9]  }
0x89: {  	s3 =	sld [smem:$0x3FFE];
	_ =	sdelay $0x1  }
0x8a: {  	s1 =	srdreg.scid  }
0x8b: {  	s0 =	sand.u32 $0x1, s1  }
0x8c: {  	s17 =	sshll.u32 s0, $0xA;
	s2 =	sadd.s32 s3, s2  }
0x8d: {  	s2 =	sadd.s32 s2, s17  }
0x8e: {  	[smem:$0x3FBA] =	sst s2  }
0x8f: {  	_ = 	snop  }
0x90: {  	s2 =	sld [smem:$0x3FD0];
	(tm) =	ssettm $0x1  }
0x91: {  	s18 =	sld [smem:$0x3FFB];
	_ =	sdelay $0x3  }
0x92: {  	_ =	strace s18  }
0x93: {  	s3 =	sld [smem:$0x3FFC];
	_ =	sdelay $0x3  }
0x94: {  	_ =	strace s3  }
0x95: {  	s3 =	sld [smem:$0x3FFD];
	_ =	sdelay $0x3  }
0x96: {  	_ =	strace s3  }
0x97: {  	_ =	strace $0x8FFFFFFF  }
0x98: {  	s19 =	sld [smem:$0x3FDB];
	_ =	sdelay $0x1  }
0x99: {  	s4 =	simm.s32 $_scs_section_size  }
0x9a: {  	s5 =	simm.s32 $_size__tile_overlayer_lowered;
	s6 =	simm.s32 $_tile_overlayer_lowered  }
0x9b: {  	s22 =	simm.s32 $0x1BFF;
	s21 =	sshll.u32 s6, $0x1;
	s3 =	sadd.s32 s4, s19  }
0x9c: {  	s7 =	simm.s32 $0x0;
	s20 =	sshll.u32 s5, $0x1;
	s5 =	sadd.s32 s21, s3  }
0x9d: {  	[timem:s7], [sflag:s22] =	dma.local [hbm:s5], s20  }
0x9e: {  	_ =	swait.ge [sflag:s22], s20  }
0x9f: {  	s4 =	ssub.s32 $0x0, s20;
	[sflag:s22] =	ssyncset.done $0x0  }
0xa0: {  	[sflag:s22] =	ssyncadd.s32 s4;
	_ =	sdelay $0x1  }
0xa1: {  	s23 =	simm.s32 $0x1B8B  }
0xa2: {  	_ =	swait.ge [sflag:s23], $0x1  }
0xa3: {  	[sflag:s23] =	ssyncset.done $0x0  }
0xa4: {  	s25 =	simm.s32 $0x1B8E;
	s24 =	sld [smem:$0x3FFE];
	[sflag:s23] =	ssyncadd.s32 $0xFFFFFFFF  }
0xa5: {  	s26 =	simm.s32 $execute0_lowered;
	[smem:$0x3FD2] =	sst s25  }
0xa6: {  	s5 =	sshll.u32 s26, $0x1;
	_ =	strace $0x80000046;
	[dreg:$0x1] =	wrdreg $0xFFFFFFFF  }
0xa7: {  	s28 =	simm.s32 $_size_execute0_lowered;
	s3 =	sadd.s32 s3, s5;
	[dreg:$0x0] =	wrdreg $0x0  }
0xa8: {  	s5 =	sshll.u32 s28, $0x1;
	[dreg:$0x2] =	wrdreg s3  }
0xa9: {  	[dreg:$0x3] =	wrdreg s5  }
0xaa: {  	[dreg:$0x4] =	wrdreg $0xC0  }
0xab: {  	_ =	task [dreg:s7], $0x5FFFF  }
0xac: {  	[dreg:$0x1] =	wrdreg $0xFFFFFFFF  }
0xad: {  	[dreg:$0x0] =	wrdreg $0x60  }
0xae: {  	[dreg:$0x2] =	wrdreg s24  }
0xaf: {  	[dreg:$0x3] =	wrdreg s2  }
0xb0: {  	[dreg:$0x4] =	wrdreg $0x9  }
0xb1: {  	_ =	task.clear_ibuf [dreg:s7], $0x5FFFF;
	_ =	strace $0x90000046  }
0xb2: {  	s29 =	simm.s32 $0x9;
	_ =	strace $0x80000048  }
0xb3: {  	_ =	swait.ge [sflag:s29], $0x1  }
0xb4: {  	[sflag:s29] =	ssyncadd.s32 $0xFFFFFFFF  }
0xb5: {  	_ =	strace $0x90000048  }
0xb6: {  	_ =	sfence  }
0xb7: {  	s30 =	sld [smem:$0x0];
	_ =	sdelay $0x2  }
0xb8: {  	s31 =	sshll.u32 s1, $0xD;
	s1 =	sshrl.u32 s1, $0x2  }
0xb9: {  	s3 =	sand.u32 $0x4000, s31;
	s1 =	sadd.s32 s1, s30  }
0xba: {  	s0 =	sor.u32 s3, s0;
	s1 =	sshll.u32 s1, $0x11  }
0xbb: {  	s0 =	sor.u32 s1, s0  }
0xbc: {  	s0 =	sadd.s32 $0x8F2B, s0  }
0xbd: {  	[sflag:s0] =	ssyncadd.remote.s32 $0x1  }
0xbe: {  	_ =	sfence.sel $0xFFFF  }
0xbf: {  	[dreg:$0x0] =	wrdreg $0xFFFFFFFF;
	(pc) =	sbr.abs _section_cstart, $3  }
0xc0: {  	[dreg:$0x1] =	wrdreg $0xFFFFFFFF  }
0xc1: {  	_ =	task.clear_ibuf [dreg:s7], $0x2FFFF;
	_ =	strace $0x9FFFFFFF  }
0xc2: {  	(tm) =	ssettm $0x7FFFFFFF  }
0xc3: {  	_ =	shalt  }
tec
execute0_lowered:
.L_overlay_start_1:
0x0: {  	(tag) =	ssettag $0x1  }
0x1: {  	s5 =	rddreg [dreg:$0x0]  }
0x2: {  	s2 =	rddreg [dreg:$0x1]  }
0x3: {  	s0 =	rddreg [dreg:$0x2];
	s4 =	srdreg.scid  }
0x4: {  	s1 =	stileid.u32;
	s3 =	simm.s32 $0x0;
	s13 =	simm.s32 $0x80  }
0x5: {  	s14 =	simm.s32 $0x1900;
	s15 =	simm.s32 $0x5900;
	s16 =	simm.s32 $0x3900  }
0x6: {  	s17 =	simm.s32 $0x7900;
	s18 =	simm.s32 $0x1;
	s19 =	simm.s32 $0x3  }
0x7: {  	s20 =	simm.s32 $0x2;
	s6 =	sand.u32 $0x1, s4;
	s31 =	sshll.u32 s1, $0x1  }
0x8: {  	s21 =	simm.s32 $0x4;
	s22 =	simm.s32 $0x5;
	s9 =	sor.u32 s6, s31  }
0x9: {  	s23 =	simm.s32 $0x6;
	s24 =	simm.s32 $0x0;
	s7 =	smul.u32 $0x320, s9  }
0xa: {  	[smem:$0x7FF] =	sst s3;
	s6 =	ssub.s32 $0x2, s6;
	s10 =	smul.u32 $0xC800, s9  }
.Ltmp0:
0xb: {  	s4 =	sadd.s32 $0xF44C00, s5;
	s8 =	sshrl.u32 s6, $0x1;
	(pc) =	sbr.rel .LBB2_1-.Ltmp0, $4  }
0xc: {  	_ =	strace $0x80000047;
	s9 =	smul.u32 $0x64000, s9;
	s11 =	ssub.s32 s6, s8  }
0xd: {  	s7 =	sadd.s32 s7, s5;
	s5 =	sadd.s32 $0x9000, s5;
	s12 =	sadd.s32 s10, s2  }
0xe: {  	s6 =	sadd.s32 $0x2800, s7;
	s7 =	sadd.s32 s5, s10;
	s10 =	smax.u32 s11, $0x1  }
0xf: {  	s11 =	sadd.s32 $0x400, s12;
	s12 =	simm.s32 $0x7;
	s8 =	sadd.s32 $0x400, s7  }
.LBB2_8:
0x10: {  	s24 =	sadd.s32 $0x1, s24  }
0x11: {  	_ =	swait.ge [sflag:s22], $0x2000;
	p0 =	sne.s32 s24, s10  }
.Ltmp1:
0x12: {  	[sflag:s22] =	ssyncset.done $0x0;
	(pc) =	sbr.rel @!p0 .LBB2_9-.Ltmp1, $4  }
0x13: {  	[sflag:s22] =	ssyncadd.s32 $0xFFFFE000  }
0x14: {  	_ =	swait.ge [sflag:s23], $0x2000  }
0x15: {  	[sflag:s23] =	ssyncset.done $0x0  }
0x16: {  	[sflag:s23] =	ssyncadd.s32 $0xFFFFE000  }
.LBB2_1:
0x17: {  	[tilespmem:s3], [sflag:$0x7] =	stream.linear.gather [hbm4b:s6+s3], $0x1900, $0x38;
	[tilespmem:$0x9900] =	vst v63  }
0x18: {  	_ =	swait.ge [sflag:s12], $0x1900  }
0x19: {  	[sflag:s12] =	ssyncset.done $0x0  }
0x1a: {  	[sflag:s12] =	ssyncadd.s32 $0xFFFFE700  }
0x1b: {  	[tilespmem:s14], [sflag:$0x1] =	stream.indirect.gather [hbm4b:s4+s13], $0x40, s3, s13, $0xb8;
	[tilespmem:$0x9900] =	vst v63  }
0x1c: {  	_ = 	snop  }
0x1d: {  	[tilespmem:s15], [sflag:$0x3] =	stream.linear.gather [hbm4b:s7+s3], $0x2000, $0x38;
	[tilespmem:$0x9900] =	vst v63  }
0x1e: {  	_ = 	snop  }
0x1f: {  	[tilespmem:s16], [sflag:$0x2] =	stream.indirect.gather [hbm4b:s4+s13], $0x40, s13, s13, $0xb8;
	[tilespmem:$0x9900] =	vst v63  }
0x20: {  	s25 =	simm.s32 $0x0  }
0x21: {  	[tilespmem:s17], [sflag:$0x4] =	stream.linear.gather [hbm4b:s8+s3], $0x2000, $0x38;
	[tilespmem:$0x9900] =	vst v63  }
.LBB2_2:
0x22: {  	_ =	swait.ge [sflag:s18], $0x2000  }
0x23: {  	[sflag:s18] =	ssyncset.done $0x0  }
0x24: {  	[sflag:s18] =	ssyncadd.s32 $0xFFFFE000  }
0x25: {  	_ =	swait.ge [sflag:s19], $0x2000  }
0x26: {  	[sflag:s19] =	ssyncset.done $0x0  }
0x27: {  	s26 =	simm.s32 $0x0;
	s28 =	simm.s32 $0x200;
	[sflag:s19] =	ssyncadd.s32 $0xFFFFE000  }
.LBB2_3:
0x28: {  	p0 =	sne.s32 s28, $0x7E00;
	v0 =	vld [tilespmem:s26+$0x1970]  }
0x29: {  	v1 =	vld [tilespmem:s26+$0x1900]  }
0x2a: {  	v2 =	vld [tilespmem:s26+$0x1910]  }
0x2b: {  	v3 =	vld [tilespmem:s26+$0x1920]  }
0x2c: {  	v4 =	vld [tilespmem:s26+$0x1930]  }
0x2d: {  	[tilespmem:s26+$0x5970] =	vst.add.f32.msk $0xffff, v0  }
0x2e: {  	v0 =	vld [tilespmem:s26+$0x1940]  }
0x2f: {  	v5 =	vld [tilespmem:s26+$0x1950]  }
0x30: {  	v6 =	vld [tilespmem:s26+$0x1960]  }
0x31: {  	[tilespmem:s26+$0x5900] =	vst.add.f32.msk $0xffff, v1  }
0x32: {  	[tilespmem:s26+$0x5910] =	vst.add.f32.msk $0xffff, v2  }
.Ltmp2:
0x33: {  	[tilespmem:s26+$0x5920] =	vst.add.f32.msk $0xffff, v3;
	(pc) =	sbr.rel @p0 .LBB2_3-.Ltmp2, $4  }
0x34: {  	[tilespmem:s26+$0x5930] =	vst.add.f32.msk $0xffff, v4  }
0x35: {  	[tilespmem:s26+$0x5940] =	vst.add.f32.msk $0xffff, v0  }
0x36: {  	[tilespmem:s26+$0x5950] =	vst.add.f32.msk $0xffff, v5  }
0x37: {  	[tilespmem:s26+$0x5960] =	vst.add.f32.msk $0xffff, v6;
	s26 =	sshra.s32 s28, $0x2;
	s28 =	sadd.s32 $0x200, s28  }
0x38: {  	v0 =	vld [tilespmem:s26+$0x1970]  }
0x39: {  	v1 =	vld [tilespmem:s26+$0x1900]  }
0x3a: {  	v2 =	vld [tilespmem:s26+$0x1910]  }
0x3b: {  	v3 =	vld [tilespmem:s26+$0x1920]  }
0x3c: {  	v4 =	vld [tilespmem:s26+$0x1930]  }
0x3d: {  	v63 =	vld [tilespmem:s26+$0x1940]  }
0x3e: {  	v5 =	vld [tilespmem:s26+$0x1950]  }
0x3f: {  	v6 =	vld [tilespmem:s26+$0x1960]  }
0x40: {  	[tilespmem:s26+$0x5970] =	vst.add.f32.msk $0xffff, v0  }
0x41: {  	[tilespmem:s26+$0x5900] =	vst.add.f32.msk $0xffff, v1  }
0x42: {  	[tilespmem:s26+$0x5910] =	vst.add.f32.msk $0xffff, v2  }
0x43: {  	[tilespmem:s26+$0x5920] =	vst.add.f32.msk $0xffff, v3  }
0x44: {  	s28 =	sshll.u32 s25, $0xE;
	[tilespmem:s26+$0x5930] =	vst.add.f32.msk $0xffff, v4  }
0x45: {  	s28 =	sadd.s32 s9, s28;
	[tilespmem:s26+$0x5940] =	vst.add.f32.msk $0xffff, v63  }
0x46: {  	s28 =	sshrl.u32 s28, $0x3;
	[tilespmem:s26+$0x5950] =	vst.add.f32.msk $0xffff, v5  }
0x47: {  	s31 =	sadd.s32 s2, s28;
	s28 =	simm.s32 $0x0;
	[tilespmem:s26+$0x5960] =	vst.add.f32.msk $0xffff, v6  }
0x48: {  	[hbm4b:s31+s28] =	stream.linear.scatter [tilespmem:s15], [sflag:$0x5], $0x2000, $0x38;
	[tilespmem:$0x9900] =	vst v63  }
0x49: {  	_ =	swait.ge [sflag:s20], $0x2000  }
0x4a: {  	[sflag:s20] =	ssyncset.done $0x0  }
0x4b: {  	[sflag:s20] =	ssyncadd.s32 $0xFFFFE000  }
0x4c: {  	_ =	swait.ge [sflag:s21], $0x2000  }
0x4d: {  	[sflag:s21] =	ssyncset.done $0x0  }
0x4e: {  	s26 =	simm.s32 $0x0;
	s28 =	simm.s32 $0x200;
	[sflag:s21] =	ssyncadd.s32 $0xFFFFE000  }
.LBB2_5:
0x4f: {  	p0 =	sne.s32 s28, $0x7E00;
	v0 =	vld [tilespmem:s26+$0x3970]  }
0x50: {  	v1 =	vld [tilespmem:s26+$0x3900]  }
0x51: {  	v2 =	vld [tilespmem:s26+$0x3910]  }
0x52: {  	v3 =	vld [tilespmem:s26+$0x3920]  }
0x53: {  	v4 =	vld [tilespmem:s26+$0x3930]  }
0x54: {  	[tilespmem:s26+$0x7970] =	vst.add.f32.msk $0xffff, v0  }
0x55: {  	v0 =	vld [tilespmem:s26+$0x3940]  }
0x56: {  	v5 =	vld [tilespmem:s26+$0x3950]  }
0x57: {  	v6 =	vld [tilespmem:s26+$0x3960]  }
0x58: {  	[tilespmem:s26+$0x7900] =	vst.add.f32.msk $0xffff, v1  }
0x59: {  	[tilespmem:s26+$0x7910] =	vst.add.f32.msk $0xffff, v2  }
.Ltmp3:
0x5a: {  	[tilespmem:s26+$0x7920] =	vst.add.f32.msk $0xffff, v3;
	(pc) =	sbr.rel @p0 .LBB2_5-.Ltmp3, $4  }
0x5b: {  	[tilespmem:s26+$0x7930] =	vst.add.f32.msk $0xffff, v4  }
0x5c: {  	[tilespmem:s26+$0x7940] =	vst.add.f32.msk $0xffff, v0  }
0x5d: {  	[tilespmem:s26+$0x7950] =	vst.add.f32.msk $0xffff, v5  }
0x5e: {  	[tilespmem:s26+$0x7960] =	vst.add.f32.msk $0xffff, v6;
	s26 =	sshra.s32 s28, $0x2;
	s28 =	sadd.s32 $0x200, s28  }
0x5f: {  	v0 =	vld [tilespmem:s26+$0x3970]  }
0x60: {  	v1 =	vld [tilespmem:s26+$0x3900]  }
0x61: {  	v2 =	vld [tilespmem:s26+$0x3910]  }
0x62: {  	v3 =	vld [tilespmem:s26+$0x3920]  }
0x63: {  	v4 =	vld [tilespmem:s26+$0x3930]  }
0x64: {  	v63 =	vld [tilespmem:s26+$0x3940]  }
0x65: {  	v5 =	vld [tilespmem:s26+$0x3950]  }
0x66: {  	v6 =	vld [tilespmem:s26+$0x3960]  }
0x67: {  	[tilespmem:s26+$0x7970] =	vst.add.f32.msk $0xffff, v0  }
0x68: {  	[tilespmem:s26+$0x7900] =	vst.add.f32.msk $0xffff, v1  }
0x69: {  	[tilespmem:s26+$0x7910] =	vst.add.f32.msk $0xffff, v2  }
0x6a: {  	p0 =	seq.s32 s25, $0x18;
	[tilespmem:s26+$0x7920] =	vst.add.f32.msk $0xffff, v3  }
.Ltmp4:
0x6b: {  	[tilespmem:s26+$0x7930] =	vst.add.f32.msk $0xffff, v4;
	(pc) =	sbr.rel @p0 .LBB2_8-.Ltmp4, $4  }
0x6c: {  	[tilespmem:s26+$0x7940] =	vst.add.f32.msk $0xffff, v63  }
0x6d: {  	s28 =	sshll.u32 s25, $0xB;
	[tilespmem:s26+$0x7950] =	vst.add.f32.msk $0xffff, v5  }
0x6e: {  	s31 =	sadd.s32 s11, s28;
	[tilespmem:s26+$0x7960] =	vst.add.f32.msk $0xffff, v6  }
0x6f: {  	[hbm4b:s31+s3] =	stream.linear.scatter [tilespmem:s17], [sflag:$0x6], $0x2000, $0x38;
	[tilespmem:$0x9900] =	vst v63  }
0x70: {  	s26 =	sshll.u32 s25, $0x1  }
0x71: {  	_ =	swait.ge [sflag:s22], $0x2000;
	s28 =	sadd.s32 $0x2, s26  }
0x72: {  	[sflag:s22] =	ssyncset.done $0x0;
	s29 =	sshll.u32 s28, $0x7;
	s28 =	sshll.u32 s28, $0xD  }
0x73: {  	[sflag:s22] =	ssyncadd.s32 $0xFFFFE000;
	s29 =	sand.u32 $0x3FFFFF00, s29;
	s28 =	sadd.s32 s9, s28  }
0x74: {  	[tilespmem:s14], [sflag:$0x1] =	stream.indirect.gather [hbm4b:s4+s13], $0x40, s29, s13, $0xb8;
	[tilespmem:$0x9900] =	vst v63  }
0x75: {  	s28 =	sshrl.u32 s28, $0x3  }
0x76: {  	s26 =	sadd.s32 $0x3, s26;
	s28 =	sadd.s32 s5, s28  }
0x77: {  	[tilespmem:s15], [sflag:$0x3] =	stream.linear.gather [hbm4b:s28+s3], $0x2000, $0x38;
	[tilespmem:$0x9900] =	vst v63  }
0x78: {  	s31 =	sshll.u32 s26, $0x7;
	s26 =	sshll.u32 s26, $0xD;
	_ =	swait.ge [sflag:s23], $0x2000  }
.Ltmp5:
0x79: {  	s26 =	sadd.s32 s9, s26;
	[sflag:s23] =	ssyncset.done $0x0;
	(pc) =	sbr.rel .LBB2_2-.Ltmp5, $4  }
0x7a: {  	s26 =	sshrl.u32 s26, $0x3;
	s28 =	sand.u32 $0x3FFFFF80, s31;
	[sflag:s23] =	ssyncadd.s32 $0xFFFFE000  }
0x7b: {  	[tilespmem:s16], [sflag:$0x2] =	stream.indirect.gather [hbm4b:s4+s13], $0x40, s28, s13, $0xb8;
	[tilespmem:$0x9900] =	vst v63  }
0x7c: {  	s25 =	sadd.s32 $0x1, s25;
	s26 =	sadd.s32 s5, s26  }
0x7d: {  	[tilespmem:s17], [sflag:$0x4] =	stream.linear.gather [hbm4b:s26+s3], $0x2000, $0x38;
	[tilespmem:$0x9900] =	vst v63  }
.LBB2_9:
0x7e: {  	_ =	sfence.sel $0x180000  }
0x7f: {  	[bflag:$0x0] =	sbarrier.arrive $0xFFFF  }
0x80: {  	p0 =	sne.s32 s1, $0x0;
	_ =	strace $0x90000047  }
0x81: {  	s0 =	sadd.s32 @!p0 $0x100000, s0;
	[bflag:$0x2] =	sbarrier.arrive $0xFFFF  }
0x82: {  	[sflag:s0] =	ssyncadd.tile.s32 @!p0 $0x1;
	_ =	shalt  }
.Lfunc_end2:
_tile_overlayer_lowered:
.L_overlay_start_2:
0x83: {  	(tag) =	ssettag $0x2  }
0x84: {  	s0 =	rddreg [dreg:$0x0];
	s2 =	stileid.u32  }
0x85: {  	s1 =	rddreg [dreg:$0x1];
	p0 =	sne.s32 s2, $0x0  }
0x86: {  	s3 =	rddreg [dreg:$0x2];
	[bflag:$0x3] =	sbarrier.arrive $0xFFFF;
	s2 =	simm.s32 @!p0 $0x1C07  }
0x87: {  	[timem:s3], [sflag:s2] =	dma.local @!p0 [hbm:s0], s1  }
0x88: {  	s0 =	simm.s32 @!p0 $0x7  }
0x89: {  	_ =	swait.ge @!p0 [sflag:s0], s1  }
0x8a: {  	s1 =	ssub.s32 @!p0 $0x0, s1;
	[sflag:s0] =	ssyncset.done @!p0 $0x0  }
0x8b: {  	[sflag:s0] =	ssyncadd.s32 @!p0 s1  }
0x8c: {  	[bflag:$0x3] =	sbarrier.arrive $0xFFFF  }
0x8d: {  	_ =	shalt  }

// kernel: sparse-core-data-format-call.cloned.1.call-start
scs
called_computation_lowered:
.L_overlay_start_0:
0x0: {  	s2 =	sld [smem:$0x3FD9]  }
0x1: {  	s3 =	sld [smem:$0x3FFE];
	_ =	sdelay $0x1  }
0x2: {  	s1 =	srdreg.scid  }
0x3: {  	s0 =	sand.u32 $0x1, s1  }
0x4: {  	s18 =	sshll.u32 s0, $0xA;
	s2 =	sadd.s32 s3, s2  }
0x5: {  	s2 =	sadd.s32 s2, s18  }
0x6: {  	[smem:$0x3FBA] =	sst s2  }
0x7: {  	_ = 	snop  }
0x8: {  	s2 =	sld [smem:$0x3FD0];
	(tm) =	ssettm $0x1  }
0x9: {  	s19 =	sld [smem:$0x3FFB];
	_ =	sdelay $0x3  }
0xa: {  	_ =	strace s19  }
0xb: {  	s3 =	sld [smem:$0x3FFC];
	_ =	sdelay $0x3  }
0xc: {  	_ =	strace s3  }
0xd: {  	s3 =	sld [smem:$0x3FFD];
	_ =	sdelay $0x3  }
0xe: {  	_ =	strace s3  }
0xf: {  	_ =	strace $0x8FFFFFFF  }
0x10: {  	s20 =	sld [smem:$0x3FDB];
	_ =	sdelay $0x1  }
0x11: {  	s4 =	simm.s32 $_scs_section_size  }
0x12: {  	s5 =	simm.s32 $_size__tile_overlayer_lowered;
	s6 =	simm.s32 $_tile_overlayer_lowered  }
0x13: {  	s23 =	simm.s32 $0x1BFF;
	s22 =	sshll.u32 s6, $0x1;
	s3 =	sadd.s32 s4, s20  }
0x14: {  	s7 =	simm.s32 $0x0;
	s21 =	sshll.u32 s5, $0x1;
	s5 =	sadd.s32 s22, s3  }
0x15: {  	[timem:s7], [sflag:s23] =	dma.local [hbm:s5], s21  }
0x16: {  	_ =	swait.ge [sflag:s23], s21  }
0x17: {  	s4 =	ssub.s32 $0x0, s21;
	[sflag:s23] =	ssyncset.done $0x0  }
0x18: {  	[sflag:s23] =	ssyncadd.s32 s4;
	_ =	sdelay $0x1  }
0x19: {  	s24 =	simm.s32 $0x1B8B  }
0x1a: {  	_ =	swait.ge [sflag:s24], $0x1  }
0x1b: {  	[sflag:s24] =	ssyncset.done $0x0  }
0x1c: {  	s26 =	simm.s32 $0x1B8E;
	s25 =	sld [smem:$0x3FFE];
	[sflag:s24] =	ssyncadd.s32 $0xFFFFFFFF  }
0x1d: {  	s27 =	simm.s32 $execute0_lowered;
	[smem:$0x3FD2] =	sst s26  }
0x1e: {  	s5 =	sshll.u32 s27, $0x1;
	_ =	strace $0x80000049;
	[dreg:$0x1] =	wrdreg $0xFFFFFFFF  }
0x1f: {  	s28 =	simm.s32 $_size_execute0_lowered;
	s3 =	sadd.s32 s3, s5;
	[dreg:$0x0] =	wrdreg $0x0  }
0x20: {  	s5 =	sshll.u32 s28, $0x1;
	[dreg:$0x2] =	wrdreg s3  }
0x21: {  	[dreg:$0x3] =	wrdreg s5  }
0x22: {  	[dreg:$0x4] =	wrdreg $0xC0  }
0x23: {  	_ =	task [dreg:s7], $0x5FFFF  }
0x24: {  	[dreg:$0x1] =	wrdreg $0xFFFFFFFF  }
0x25: {  	[dreg:$0x0] =	wrdreg $0x60  }
0x26: {  	[dreg:$0x2] =	wrdreg s25  }
0x27: {  	[dreg:$0x3] =	wrdreg s2  }
0x28: {  	[dreg:$0x4] =	wrdreg $0x9  }
0x29: {  	_ =	task.clear_ibuf [dreg:s7], $0x5FFFF;
	_ =	strace $0x90000049  }
0x2a: {  	s29 =	simm.s32 $0x9;
	_ =	strace $0x8000004B  }
0x2b: {  	_ =	swait.ge [sflag:s29], $0x1  }
0x2c: {  	[sflag:s29] =	ssyncadd.s32 $0xFFFFFFFF  }
0x2d: {  	_ =	strace $0x9000004B  }
0x2e: {  	_ =	sfence  }
0x2f: {  	s30 =	sld [smem:$0x0];
	_ =	sdelay $0x2  }
0x30: {  	s31 =	sshll.u32 s1, $0xD;
	s1 =	sshrl.u32 s1, $0x2  }
0x31: {  	s3 =	sand.u32 $0x4000, s31;
	s1 =	sadd.s32 s1, s30  }
0x32: {  	s0 =	sor.u32 s3, s0;
	s1 =	sshll.u32 s1, $0x11  }
0x33: {  	s0 =	sor.u32 s1, s0  }
0x34: {  	s0 =	sadd.s32 $0x8F2B, s0  }
0x35: {  	[sflag:s0] =	ssyncadd.remote.s32 $0x1  }
0x36: {  	_ =	sfence.sel $0xFFFF  }
0x37: {  	[dreg:$0x0] =	wrdreg $0xFFFFFFFF;
	(pc) =	sbr.abs _section_cstart, $3  }
0x38: {  	[dreg:$0x1] =	wrdreg $0xFFFFFFFF  }
0x39: {  	_ =	task.clear_ibuf [dreg:s7], $0x2FFFF;
	_ =	strace $0x9FFFFFFF  }
0x3a: {  	(tm) =	ssettm $0x7FFFFFFF  }
0x3b: {  	_ =	shalt  }
tec
execute0_lowered:
.L_overlay_start_1:
0x0: {  	(tag) =	ssettag $0x1  }
0x1: {  	s7 =	rddreg [dreg:$0x0]  }
0x2: {  	s2 =	rddreg [dreg:$0x1]  }
0x3: {  	s0 =	stileid.u32;
	s1 =	srdreg.scid;
	s31 =	simm.s32 $0x2  }
0x4: {  	s14 =	simm.s32 $0x0;
	s15 =	simm.s32 $0x0;
	s13 =	simm.s32 $0x0  }
0x5: {  	s3 =	sshll.u32 s0, $0x5;
	s4 =	sshll.u32 s1, $0x9;
	s5 =	sshll.u32 s0, $0x1  }
0x6: {  	s1 =	rddreg [dreg:$0x2];
	s4 =	sor.u32 s3, s4;
	s3 =	sand.u32 $0x6, s5  }
0x7: {  	_ =	strace $0x8000004A;
	s4 =	sand.u32 $0x380, s4;
	s5 =	ssub.s32 $0xC8, s3  }
0x8: {  	s12 =	smov.u32 s3;
	s8 =	sshll.u32 s4, $0x4;
	s6 =	sand.u32 $0x6, s5  }
0x9: {  	s9 =	ssub.s32 $0x400, s4;
	s11 =	sshrl.u32 s5, $0x3;
	s5 =	simm.s32 $0x1  }
0xa: {  	p0 =	sne.s32 s6, $0x0;
	s6 =	simm.s32 $0x1;
	s10 =	sand.u32 $0x380, s9  }
0xb: {  	s6 =	simm.s32 @!p0 $0x0;
	p0 =	sne.s32 s10, $0x0;
	s10 =	simm.s32 $0x1  }
.Ltmp0:
0xc: {  	s9 =	sshrl.u32 s9, $0xA;
	s10 =	simm.s32 @!p0 $0x0;
	(pc) =	sbr.rel .LBB1_1-.Ltmp0, $4  }
0xd: {  	[sflag:s5] =	ssyncpa.u1 $0x0;
	s6 =	sadd.s32 s6, s11;
	s9 =	sadd.s32 s10, s9  }
0xe: {  	s8 =	sadd.s32 s8, s7;
	[sflag:s31] =	ssyncpa.u1 $0x0;
	s6 =	smul.u32 s6, s9  }
0xf: {  	s7 =	sadd.s32 $0x2400, s8;
	s8 =	sadd.s32 $0x6400, s8;
	p0 =	por $0x0, $0x0  }
0x10: {  	s11 =	simm.s32 $0x2000;
	s10 =	simm.s32 $0x400;
	s9 =	sadd.s32 $0x1, s6  }
.LBB1_7:
0x11: {  	s16 =	sadd.s32 $0x8, s12  }
0x12: {  	p2 =	sgt.s32 s16, $0xC7  }
0x13: {  	s16 =	smov.u32 @p2 s3;
	p2 =	sne.s32 s13, s9  }
.Ltmp1:
0x14: {  	p1 =	slt.u32 s13, $0x2;
	(pc) =	sbr.rel @!p2 .LBB1_8-.Ltmp1, $4  }
0x15: {  	s14 =	simm.s32 @!p1 $0x2  }
0x16: {  	s17 =	sadd.s32 $0x1, s13;
	s15 =	smov.u32 s12;
	_ =	swait.ge @!p1 [sflag:s14], $0x4000  }
0x17: {  	p0 =	por !p0, !p0;
	s13 =	smov.u32 s17;
	[sflag:s14] =	ssyncset.done @!p1 $0x0  }
0x18: {  	s12 =	smov.u32 s16;
	[sflag:s14] =	ssyncadd.s32 @!p1 $0xFFFFC000;
	s14 =	smov.u32 s4  }
.LBB1_1:
0x19: {  	p1 =	sge.u32 s13, s6  }
0x1a: {  	s16 =	sxor.u32 @!p1 $0xFFFFFFFF, s13  }
0x1b: {  	s17 =	sshll.u32 @!p1 s12, $0xE;
	s19 =	simm.s32 @!p1 $0x40;
	s16 =	sshll.u32 @!p1 s16, $0xE  }
0x1c: {  	s20 =	simm.s32 @!p1 $0x80;
	s18 =	sadd.s32 @!p1 s17, s7;
	s16 =	sand.u32 @!p1 $0x4000, s16  }
0x1d: {  	[tilespmem:s16], [sflag:$0x1] =	stream.strided.gather @!p1 [hbm4b:s18+s19], $0x2000, s20, s19, $0x38;
	[tilespmem:$0x10100] =	vst v63  }
0x1e: {  	s31 =	sadd.s32 $0xFFFFFFFF, s13;
	s17 =	sadd.s32 @!p1 s17, s8;
	s16 =	sor.u32 @!p1 $0x2000, s16  }
0x1f: {  	[tilespmem:s16], [sflag:$0x1] =	stream.strided.gather @!p1 [hbm4b:s17+s19], $0x2000, s20, s19, $0x38;
	[tilespmem:$0x10100] =	vst v63  }
0x20: {  	p1 =	sge.u32 s31, s6  }
.Ltmp2:
0x21: {  	_ = 	snop;
	(pc) =	sbr.rel @p1 .LBB1_7-.Ltmp2, $1  }
0x22: {  	_ =	sdelay $0x3  }
0x23: {  	s16 =	simm.s32 $0x1;
	s18 =	sand.u32 $0x1, s13  }
0x24: {  	_ =	swait.ge [sflag:s5], $0x4000;
	s16 =	simm.s32 @!p0 $0x0;
	s18 =	smul.u32 $0x10200, s18  }
0x25: {  	p2 =	por $0x1, $0x1;
	[sflag:s5] =	ssyncset.done $0x0;
	s17 =	smul.u32 $0x10200, s16  }
0x26: {  	s19 =	sshll.u32 s16, $0x10;
	[sflag:s5] =	ssyncadd.s32 $0xFFFFC000;
	s30 =	sshrl.u32 s18, $0x2  }
0x27: {  	s31 =	sshrl.u32 s19, $0x2;
	s19 =	simm.s32 $0x0;
	s17 =	sshrl.u32 s17, $0x2  }
0x28: {  	s16 =	sor.u32 $0x8000, s30;
	s18 =	sadd.s32 $0x20, s31;
	s17 =	sor.u32 $0x8000, s17  }
.LBB1_3:
0x29: {  	s20 =	sshll.u32 s19, $0xD  }
0x2a: {  	s20 =	sand.u32 $0x3FFFE000, s20  }
0x2b: {  	s22 =	sadd.s32 s20, s18  }
0x2c: {  	s31 =	smul.u32 $0x8100, s19;
	v3 =	vld [tilespmem:s22+$0x10]  }
0x2d: {  	v1 =	vld [tilespmem:s22+$0xFFFFFFF0]  }
0x2e: {  	s19 =	sshra.s32 s31, $0x2;
	v0 =	vld [tilespmem:s22+$0x0]  }
0x2f: {  	s19 =	sadd.s32 s19, s17;
	v2 =	vld [tilespmem:s22+$0xFFFFFFE0]  }
0x30: {  	s20 =	sadd.s32 $0x0, s19  }
0x31: {  	p1 =	por p2, p2;
	s21 =	simm.s32 $0x4;
	s22 =	sadd.s32 $0x40, s22;
	[tilespmem:s20+$0x1830 ss:$0x81] =	vst.msk $0xffff, v3  }
.LBB1_4:
0x32: {  	v3 =	vld [tilespmem:s22+$0x10];
	p2 =	sne.s32 s21, $0x1FC;
	[tilespmem:s20+$0x810 ss:$0x81] =	vst.msk $0xffff, v1;
	s23 =	smov.u32 s21;
	s21 =	sadd.s32 $0x4, s21  }
.Ltmp3:
0x33: {  	v1 =	vld [tilespmem:s22+$0xFFFFFFF0];
	[tilespmem:s20+$0x1020 ss:$0x81] =	vst.msk $0xffff, v0;
	(pc) =	sbr.rel @p2 .LBB1_4-.Ltmp3, $4  }
0x34: {  	v0 =	vld [tilespmem:s22+$0x0];
	[tilespmem:s20+$0x0 ss:$0x81] =	vst.msk $0xffff, v2  }
0x35: {  	s20 =	sshra.s32 s23, $0x2;
	v2 =	vld [tilespmem:s22+$0xFFFFFFE0]  }
0x36: {  	s20 =	sadd.s32 s20, s19  }
0x37: {  	s22 =	sadd.s32 $0x40, s22;
	[tilespmem:s20+$0x1830 ss:$0x81] =	vst.msk $0xffff, v3  }
.Ltmp4:
0x38: {  	(pc) =	sbr.rel @p1 .LBB1_3-.Ltmp4, $4  }
0x39: {  	_ = 	snop  }
0x3a: {  	[tilespmem:s20+$0x810 ss:$0x81] =	vst.msk $0xffff, v1  }
0x3b: {  	[tilespmem:s20+$0x1020 ss:$0x81] =	vst.msk $0xffff, v0  }
0x3c: {  	s19 =	simm.s32 $0x1;
	p2 =	por $0x0, $0x0;
	[tilespmem:s20+$0x0 ss:$0x81] =	vst.msk $0xffff, v2  }
.Ltmp5:
0x3d: {  	(pc) =	sbr.rel .LBB1_7-.Ltmp5, $4  }
0x3e: {  	_ = 	snop  }
0x3f: {  	s15 =	sshll.u32 s15, $0xD;
	s14 =	sadd.s32 s2, s14  }
0x40: {  	s14 =	sadd.s32 s15, s14  }
0x41: {  	[hbm4b:s14+s10] =	stream.strided.scatter [tilespmem:s16], [sflag:$0x2], $0x4000, s11, s10, $0x20;
	[tilespmem:$0x10100] =	vst v63  }
.LBB1_8:
0x42: {  	_ =	sfence.sel $0x180000  }
0x43: {  	s2 =	simm.s32 $0x1;
	[bflag:$0x0] =	sbarrier.arrive $0xFFFF  }
0x44: {  	s31 =	simm.s32 $0x2;
	[sflag:s2] =	ssyncpa.u1 $0x1  }
0x45: {  	[sflag:s31] =	ssyncpa.u1 $0x1  }
0x46: {  	p0 =	sne.s32 s0, $0x0;
	_ =	strace $0x9000004A  }
0x47: {  	s0 =	sadd.s32 @!p0 $0x100000, s1;
	[bflag:$0x2] =	sbarrier.arrive $0xFFFF  }
0x48: {  	[sflag:s0] =	ssyncadd.tile.s32 @!p0 $0x1;
	_ =	shalt  }
.Lfunc_end1:
_tile_overlayer_lowered:
.L_overlay_start_2:
0x49: {  	(tag) =	ssettag $0x2  }
0x4a: {  	s0 =	rddreg [dreg:$0x0];
	s2 =	stileid.u32  }
0x4b: {  	s1 =	rddreg [dreg:$0x1];
	p0 =	sne.s32 s2, $0x0  }
0x4c: {  	s3 =	rddreg [dreg:$0x2];
	[bflag:$0x3] =	sbarrier.arrive $0xFFFF;
	s2 =	simm.s32 @!p0 $0x1C01  }
0x4d: {  	[timem:s3], [sflag:s2] =	dma.local @!p0 [hbm:s0], s1  }
0x4e: {  	s0 =	simm.s32 @!p0 $0x1  }
0x4f: {  	_ =	swait.ge @!p0 [sflag:s0], s1  }
0x50: {  	s1 =	ssub.s32 @!p0 $0x0, s1;
	[sflag:s0] =	ssyncset.done @!p0 $0x0  }
0x51: {  	[sflag:s0] =	ssyncadd.s32 @!p0 s1  }
0x52: {  	[bflag:$0x3] =	sbarrier.arrive $0xFFFF  }
0x53: {  	_ =	shalt  }

</sc_bundles>
